<compile_context>
chip_gen: v7x
topology: tpu7x:2x2x1
jax: 0.10.2.dev20260603
libtpu: 0.0.44.dev20260713+nightly
codegen_flags: <defaults>
</compile_context>

<pallas_src>
import functools

import jax
import jax.numpy as jnp
from jax import lax
from jax.experimental import pallas as pl
from jax.experimental.pallas import tpu as pltpu
from jax.experimental.pallas import tpu_sc as plsc

_B, _S = 64, 8192
_NC, _NS, _L = 2, 16, 16
_NW = _NC * _NS
_ROWS_PER_W = _B // _NW
_NCHUNK = _S // _L
_UF = 4
_MAX_ITERS = 16
_NEG = -1e30


def _scalar_sum16(vec):
    total = vec[0]
    for j in range(1, _L):
        total = total + vec[j]
    return total


def _scalar_max16(vec):
    best = vec[0]
    for j in range(1, _L):
        best = jnp.maximum(best, vec[j])
    return best


def _sc_body(scores_hbm, maskf_hbm, out_hbm, z_ref, m_ref):
    wid = lax.axis_index("s") * _NC + lax.axis_index("c")
    zeros = jnp.zeros((_L,), jnp.float32)
    negs = jnp.full((_L,), _NEG, jnp.float32)

    for r in range(_ROWS_PER_W):
        row = wid * _ROWS_PER_W + r
        pltpu.sync_copy(scores_hbm.at[row], z_ref)
        pltpu.sync_copy(maskf_hbm.at[row], m_ref)

        def p1(i, carry):
            accs = list(carry)
            base = i * (_UF * _L)
            for u in range(_UF):
                v = z_ref[pl.ds(base + u * _L, _L)]
                m = m_ref[pl.ds(base + u * _L, _L)]
                z = jnp.where(m != 0.0, v, jnp.float32(_NEG))
                z_ref[pl.ds(base + u * _L, _L)] = z
                accs[u] = accs[u] + z
                accs[_UF + u] = jnp.maximum(accs[_UF + u], z)
            return tuple(accs)

        accs = lax.fori_loop(0, _NCHUNK // _UF, p1,
                             (zeros,) * _UF + (negs,) * _UF)
        sacc = accs[0] + accs[1] + accs[2] + accs[3]
        macc = jnp.maximum(jnp.maximum(accs[4], accs[5]),
                           jnp.maximum(accs[6], accs[7]))
        total = _scalar_sum16(sacc)
        mx = _scalar_max16(macc)
        mx_vec = jnp.broadcast_to(mx, (_L,))
        tau0 = jnp.minimum(
            jnp.broadcast_to((total - 1.0) * jnp.float32(1.0 / _S), (_L,)),
            mx_vec)

        def newton_body(_, tau):
            def scan(i, c):
                accs = list(c)
                base = i * (_UF * _L)
                for u in range(_UF):
                    z = z_ref[pl.ds(base + u * _L, _L)]
                    sel = z >= tau
                    accs[u] = accs[u] + jnp.where(sel, z, 0.0)
                    accs[_UF + u] = accs[_UF + u] + jnp.where(sel, 1.0, 0.0)
                return tuple(accs)

            accs = lax.fori_loop(0, _NCHUNK // _UF, scan, (zeros,) * (2 * _UF))
            s_acc = accs[0] + accs[1] + accs[2] + accs[3]
            k_acc = accs[4] + accs[5] + accs[6] + accs[7]
            num = jnp.broadcast_to(_scalar_sum16(s_acc) - 1.0, (_L,))
            den = jnp.broadcast_to(
                jnp.maximum(_scalar_sum16(k_acc), 1.0), (_L,))
            return jnp.minimum(num / den, mx_vec)

        tau = lax.fori_loop(0, _MAX_ITERS, newton_body, tau0)

        def outp(i, carry):
            base = i * (_UF * _L)
            for u in range(_UF):
                z = z_ref[pl.ds(base + u * _L, _L)]
                z_ref[pl.ds(base + u * _L, _L)] = jnp.maximum(z - tau, 0.0)
            return carry

        lax.fori_loop(0, _NCHUNK // _UF, outp, 0)
        pltpu.sync_copy(z_ref, out_hbm.at[row])


@jax.jit
def _sc_sparsemax(scores, maskf):
    mesh = plsc.VectorSubcoreMesh(core_axis_name="c", subcore_axis_name="s")
    return pl.kernel(
        _sc_body,
        mesh=mesh,
        out_type=jax.ShapeDtypeStruct((_B, _S), jnp.float32),
        scratch_types=[
            pltpu.VMEM((_S,), jnp.float32),
            pltpu.VMEM((_S,), jnp.float32),
        ],
    )(scores, maskf)


def kernel(scores, mask):
    return _sc_sparsemax(scores, mask.astype(jnp.float32))

# --- scband reference (transcript-rebuilt; emitter-appended) ---
"""Pipeline reference for scband-sparsemax-activation-29042568856209 (READ-ONLY COPY).

The authoritative reference and input builder live on the scoring server;
editing this copy changes nothing except your own understanding.
"""

import jax, jax.numpy as jnp
import numpy as np

B, S = 64, 8192


def setup_inputs(seed: int = 0) -> dict:
    key = jax.random.key(seed)
    k1, k2 = jax.random.split(key)
    scores = jax.random.normal(k1, (B, S), dtype=jnp.float32)
    mask = jax.random.randint(k2, (B, S), 0, 2).astype(bool)
    return {"scores": scores, "mask": mask}


def _sparsemax(z):
    # Martins & Astudillo (2016) sparsemax along last dim.
    n = z.shape[-1]
    z_sorted = jnp.sort(z, axis=-1)[..., ::-1]  # descending
    k = jnp.arange(1, n + 1, dtype=z.dtype)
    z_cumsum = jnp.cumsum(z_sorted, axis=-1)
    support = (1.0 + k * z_sorted) > z_cumsum
    k_sel = jnp.sum(support.astype(jnp.int32), axis=-1)  # support size, >= 1
    cs_k = jnp.take_along_axis(z_cumsum, (k_sel - 1)[..., None], axis=-1)
    tau = (cs_k - 1.0) / k_sel[..., None].astype(z.dtype)
    return jnp.maximum(z - tau, 0.0)


def reference(scores, mask):
    # replace_masked_values(scores, mask, -inf); a large finite negative is used
    # so fully-masked positions get exactly zero probability without NaNs.
    big_neg = jnp.asarray(-1e30, scores.dtype)
    masked_scores = jnp.where(mask, scores, big_neg)
    return _sparsemax(masked_scores)

if __name__ == "__main__":
    import jax
    _d = setup_inputs()
    print(jax.jit(kernel)(*tuple(_d.values())))

</pallas_src>

<mosaic_0001>
#map = affine_map<(d0, d1) -> (0, 0)>
module attributes {stable_mosaic.version = 14 : i64} {
  func.func @_sc_body(%arg0: i32, %arg1: i32, %arg2: memref<64x8192xf32, #tpu.memory_space<hbm>>, %arg3: memref<64x8192xf32, #tpu.memory_space<hbm>>, %arg4: memref<64x8192xf32, #tpu.memory_space<hbm>>, %arg5: memref<8192xf32, #tpu.memory_space<vmem>>, %arg6: memref<8192xf32, #tpu.memory_space<vmem>>) attributes {dimension_semantics = [#tpu.dimension_semantics<core_parallel>, #tpu.dimension_semantics<subcore_parallel>], iteration_bounds = array<i64: 2, 16>, scalar_prefetch = 0 : i64, scratch_operands = 2 : i64, tpu.core_type = #tpu.core_type<sc_vector_subcore>, window_params = [{transform_indices = #map}, {transform_indices = #map}, {transform_indices = #map}]} {
    %mul3A = arith.constant 2 : i32
    %mul3A_0 = arith.muli %arg1, %mul3A : i32
    %add3A = arith.addi %mul3A_0, %arg0 : i32
    %broadcast_in_dim3A = arith.constant 0.000000e+00 : f32
    %broadcast_in_dim3A_1 = vector.broadcast %broadcast_in_dim3A : f32 to vector<16xf32>
    %broadcast_in_dim3A_2 = arith.constant -1.000000e+30 : f32
    %broadcast_in_dim3A_3 = vector.broadcast %broadcast_in_dim3A_2 : f32 to vector<16xf32>
    %mul3A_4 = arith.constant 2 : i32
    %mul3A_5 = arith.muli %add3A, %mul3A_4 : i32
    %add3A_6 = arith.constant 0 : i32
    %add3A_7 = arith.addi %mul3A_5, %add3A_6 : i32
    "tpu.region"() ({
      %run_scoped3A = tpu.sem_alloc : memref<!tpu.dma_semaphore, #tpu.memory_space<semaphore_mem>>
      %dma_start3A = arith.constant 0 : i32
      %dma_start3A_256 = tpu.memref_slice %arg2[%add3A_7, %dma_start3A] : memref<64x8192xf32, #tpu.memory_space<hbm>> -> memref<1x8192xf32, #tpu.memory_space<hbm>>
      %dma_start3A_257 = tpu.memref_squeeze %dma_start3A_256 : memref<1x8192xf32, #tpu.memory_space<hbm>> -> memref<8192xf32, #tpu.memory_space<hbm>>
      %dma_start3A_258 = arith.constant 0 : i32
      %dma_start3A_259 = tpu.memref_slice %arg2[%add3A_7, %dma_start3A_258] : memref<64x8192xf32, #tpu.memory_space<hbm>> -> memref<1x8192xf32, #tpu.memory_space<hbm>>
      %dma_start3A_260 = tpu.memref_squeeze %dma_start3A_259 : memref<1x8192xf32, #tpu.memory_space<hbm>> -> memref<8192xf32, #tpu.memory_space<hbm>>
      tpu.enqueue_dma source(%dma_start3A_260 : memref<8192xf32, #tpu.memory_space<hbm>>) target(%arg5 : memref<8192xf32, #tpu.memory_space<vmem>>) target_semaphore(%run_scoped3A : memref<!tpu.dma_semaphore, #tpu.memory_space<semaphore_mem>>)
      %dma_wait3A = arith.constant 0 : i32
      %dma_wait3A_261 = tpu.memref_slice %arg2[%add3A_7, %dma_wait3A] : memref<64x8192xf32, #tpu.memory_space<hbm>> -> memref<1x8192xf32, #tpu.memory_space<hbm>>
      %dma_wait3A_262 = tpu.memref_squeeze %dma_wait3A_261 : memref<1x8192xf32, #tpu.memory_space<hbm>> -> memref<8192xf32, #tpu.memory_space<hbm>>
      %dma_wait3A_263 = arith.constant 0 : i32
      %dma_wait3A_264 = tpu.memref_slice %arg2[%add3A_7, %dma_wait3A_263] : memref<64x8192xf32, #tpu.memory_space<hbm>> -> memref<1x8192xf32, #tpu.memory_space<hbm>>
      %dma_wait3A_265 = tpu.memref_squeeze %dma_wait3A_264 : memref<1x8192xf32, #tpu.memory_space<hbm>> -> memref<8192xf32, #tpu.memory_space<hbm>>
      tpu.wait_dma2 semaphore(%run_scoped3A : memref<!tpu.dma_semaphore, #tpu.memory_space<semaphore_mem>>) src(%dma_wait3A_265 : memref<8192xf32, #tpu.memory_space<hbm>>) dst(%arg5 : memref<8192xf32, #tpu.memory_space<vmem>>)
      tpu.yield
    }) : () -> ()
    "tpu.region"() ({
      %run_scoped3A = tpu.sem_alloc : memref<!tpu.dma_semaphore, #tpu.memory_space<semaphore_mem>>
      %dma_start3A = arith.constant 0 : i32
      %dma_start3A_256 = tpu.memref_slice %arg3[%add3A_7, %dma_start3A] : memref<64x8192xf32, #tpu.memory_space<hbm>> -> memref<1x8192xf32, #tpu.memory_space<hbm>>
      %dma_start3A_257 = tpu.memref_squeeze %dma_start3A_256 : memref<1x8192xf32, #tpu.memory_space<hbm>> -> memref<8192xf32, #tpu.memory_space<hbm>>
      %dma_start3A_258 = arith.constant 0 : i32
      %dma_start3A_259 = tpu.memref_slice %arg3[%add3A_7, %dma_start3A_258] : memref<64x8192xf32, #tpu.memory_space<hbm>> -> memref<1x8192xf32, #tpu.memory_space<hbm>>
      %dma_start3A_260 = tpu.memref_squeeze %dma_start3A_259 : memref<1x8192xf32, #tpu.memory_space<hbm>> -> memref<8192xf32, #tpu.memory_space<hbm>>
      tpu.enqueue_dma source(%dma_start3A_260 : memref<8192xf32, #tpu.memory_space<hbm>>) target(%arg6 : memref<8192xf32, #tpu.memory_space<vmem>>) target_semaphore(%run_scoped3A : memref<!tpu.dma_semaphore, #tpu.memory_space<semaphore_mem>>)
      %dma_wait3A = arith.constant 0 : i32
      %dma_wait3A_261 = tpu.memref_slice %arg3[%add3A_7, %dma_wait3A] : memref<64x8192xf32, #tpu.memory_space<hbm>> -> memref<1x8192xf32, #tpu.memory_space<hbm>>
      %dma_wait3A_262 = tpu.memref_squeeze %dma_wait3A_261 : memref<1x8192xf32, #tpu.memory_space<hbm>> -> memref<8192xf32, #tpu.memory_space<hbm>>
      %dma_wait3A_263 = arith.constant 0 : i32
      %dma_wait3A_264 = tpu.memref_slice %arg3[%add3A_7, %dma_wait3A_263] : memref<64x8192xf32, #tpu.memory_space<hbm>> -> memref<1x8192xf32, #tpu.memory_space<hbm>>
      %dma_wait3A_265 = tpu.memref_squeeze %dma_wait3A_264 : memref<1x8192xf32, #tpu.memory_space<hbm>> -> memref<8192xf32, #tpu.memory_space<hbm>>
      tpu.wait_dma2 semaphore(%run_scoped3A : memref<!tpu.dma_semaphore, #tpu.memory_space<semaphore_mem>>) src(%dma_wait3A_265 : memref<8192xf32, #tpu.memory_space<hbm>>) dst(%arg6 : memref<8192xf32, #tpu.memory_space<vmem>>)
      tpu.yield
    }) : () -> ()
    %scan3A = arith.constant 0 : i32
    %scan3A_8 = arith.constant 128 : i32
    %scan3A_9 = arith.addi %scan3A, %scan3A_8 : i32
    %scan3A_10 = arith.constant 1 : i32
    %scan3A_11:8 = scf.for %scan3A_256 = %scan3A to %scan3A_9 step %scan3A_10 iter_args(%scan3A_257 = %broadcast_in_dim3A_1, %scan3A_258 = %broadcast_in_dim3A_1, %scan3A_259 = %broadcast_in_dim3A_1, %scan3A_260 = %broadcast_in_dim3A_1, %scan3A_261 = %broadcast_in_dim3A_3, %scan3A_262 = %broadcast_in_dim3A_3, %scan3A_263 = %broadcast_in_dim3A_3, %scan3A_264 = %broadcast_in_dim3A_3) -> (vector<16xf32>, vector<16xf32>, vector<16xf32>, vector<16xf32>, vector<16xf32>, vector<16xf32>, vector<16xf32>, vector<16xf32>)  : i32 {
      %mul3A_265 = arith.constant 64 : i32
      %mul3A_266 = arith.muli %scan3A_256, %mul3A_265 : i32
      %add3A_267 = arith.constant 0 : i32
      %add3A_268 = arith.addi %mul3A_266, %add3A_267 : i32
      %get3A = arith.index_cast %add3A_268 : i32 to index
      %get3A_269 = tpu.vector_load %arg5[%get3A] {strides = array<i32>} : memref<8192xf32, #tpu.memory_space<vmem>>, vector<16xf32>,
      %get3A_270 = vector.shape_cast %get3A_269 : vector<16xf32> to vector<16xf32>
      %add3A_271 = arith.constant 0 : i32
      %add3A_272 = arith.addi %mul3A_266, %add3A_271 : i32
      %get3A_273 = arith.index_cast %add3A_272 : i32 to index
      %get3A_274 = tpu.vector_load %arg6[%get3A_273] {strides = array<i32>} : memref<8192xf32, #tpu.memory_space<vmem>>, vector<16xf32>,
      %get3A_275 = vector.shape_cast %get3A_274 : vector<16xf32> to vector<16xf32>
      %ne3A = arith.constant 0.000000e+00 : f32
      %ne3A_276 = vector.broadcast %ne3A : f32 to vector<16xf32>
      %ne3A_277 = arith.cmpf one, %get3A_275, %ne3A_276 : vector<16xf32>
      %jit3A = arith.constant -1.000000e+30 : f32
      %broadcast_in_dim3A_278 = vector.broadcast %jit3A : f32 to vector<16xf32>
      %select_n3A = arith.select %ne3A_277, %get3A_270, %broadcast_in_dim3A_278 : vector<16xi1>, vector<16xf32>
      %add3A_279 = arith.constant 0 : i32
      %add3A_280 = arith.addi %mul3A_266, %add3A_279 : i32
      %swap3A = arith.index_cast %add3A_280 : i32 to index
      %swap3A_281 = tpu.vector_load %arg5[%swap3A] {strides = array<i32>} : memref<8192xf32, #tpu.memory_space<vmem>>, vector<16xf32>,
      %swap3A_282 = vector.shape_cast %swap3A_281 : vector<16xf32> to vector<16xf32>
      %swap3A_283 = vector.shape_cast %select_n3A : vector<16xf32> to vector<16xf32>
      tpu.vector_store %arg5[%swap3A], %swap3A_283 {strides = array<i32>} : memref<8192xf32, #tpu.memory_space<vmem>>, vector<16xf32>,
      %add3A_284 = arith.addf %scan3A_257, %select_n3A : vector<16xf32>
      %max3A_285 = arith.maximumf %scan3A_261, %select_n3A : vector<16xf32>
      %add3A_286 = arith.constant 16 : i32
      %add3A_287 = arith.addi %mul3A_266, %add3A_286 : i32
      %get3A_288 = arith.index_cast %add3A_287 : i32 to index
      %get3A_289 = tpu.vector_load %arg5[%get3A_288] {strides = array<i32>} : memref<8192xf32, #tpu.memory_space<vmem>>, vector<16xf32>,
      %get3A_290 = vector.shape_cast %get3A_289 : vector<16xf32> to vector<16xf32>
      %add3A_291 = arith.constant 16 : i32
      %add3A_292 = arith.addi %mul3A_266, %add3A_291 : i32
      %get3A_293 = arith.index_cast %add3A_292 : i32 to index
      %get3A_294 = tpu.vector_load %arg6[%get3A_293] {strides = array<i32>} : memref<8192xf32, #tpu.memory_space<vmem>>, vector<16xf32>,
      %get3A_295 = vector.shape_cast %get3A_294 : vector<16xf32> to vector<16xf32>
      %ne3A_296 = arith.constant 0.000000e+00 : f32
      %ne3A_297 = vector.broadcast %ne3A_296 : f32 to vector<16xf32>
      %ne3A_298 = arith.cmpf one, %get3A_295, %ne3A_297 : vector<16xf32>
      %jit3A_299 = arith.constant -1.000000e+30 : f32
      %broadcast_in_dim3A_300 = vector.broadcast %jit3A_299 : f32 to vector<16xf32>
      %select_n3A_301 = arith.select %ne3A_298, %get3A_290, %broadcast_in_dim3A_300 : vector<16xi1>, vector<16xf32>
      %add3A_302 = arith.constant 16 : i32
      %add3A_303 = arith.addi %mul3A_266, %add3A_302 : i32
      %swap3A_304 = arith.index_cast %add3A_303 : i32 to index
      %swap3A_305 = tpu.vector_load %arg5[%swap3A_304] {strides = array<i32>} : memref<8192xf32, #tpu.memory_space<vmem>>, vector<16xf32>,
      %swap3A_306 = vector.shape_cast %swap3A_305 : vector<16xf32> to vector<16xf32>
      %swap3A_307 = vector.shape_cast %select_n3A_301 : vector<16xf32> to vector<16xf32>
      tpu.vector_store %arg5[%swap3A_304], %swap3A_307 {strides = array<i32>} : memref<8192xf32, #tpu.memory_space<vmem>>, vector<16xf32>,
      %add3A_308 = arith.addf %scan3A_258, %select_n3A_301 : vector<16xf32>
      %max3A_309 = arith.maximumf %scan3A_262, %select_n3A_301 : vector<16xf32>
      %add3A_310 = arith.constant 32 : i32
      %add3A_311 = arith.addi %mul3A_266, %add3A_310 : i32
      %get3A_312 = arith.index_cast %add3A_311 : i32 to index
      %get3A_313 = tpu.vector_load %arg5[%get3A_312] {strides = array<i32>} : memref<8192xf32, #tpu.memory_space<vmem>>, vector<16xf32>,
      %get3A_314 = vector.shape_cast %get3A_313 : vector<16xf32> to vector<16xf32>
      %add3A_315 = arith.constant 32 : i32
      %add3A_316 = arith.addi %mul3A_266, %add3A_315 : i32
      %get3A_317 = arith.index_cast %add3A_316 : i32 to index
      %get3A_318 = tpu.vector_load %arg6[%get3A_317] {strides = array<i32>} : memref<8192xf32, #tpu.memory_space<vmem>>, vector<16xf32>,
      %get3A_319 = vector.shape_cast %get3A_318 : vector<16xf32> to vector<16xf32>
      %ne3A_320 = arith.constant 0.000000e+00 : f32
      %ne3A_321 = vector.broadcast %ne3A_320 : f32 to vector<16xf32>
      %ne3A_322 = arith.cmpf one, %get3A_319, %ne3A_321 : vector<16xf32>
      %jit3A_323 = arith.constant -1.000000e+30 : f32
      %broadcast_in_dim3A_324 = vector.broadcast %jit3A_323 : f32 to vector<16xf32>
      %select_n3A_325 = arith.select %ne3A_322, %get3A_314, %broadcast_in_dim3A_324 : vector<16xi1>, vector<16xf32>
      %add3A_326 = arith.constant 32 : i32
      %add3A_327 = arith.addi %mul3A_266, %add3A_326 : i32
      %swap3A_328 = arith.index_cast %add3A_327 : i32 to index
      %swap3A_329 = tpu.vector_load %arg5[%swap3A_328] {strides = array<i32>} : memref<8192xf32, #tpu.memory_space<vmem>>, vector<16xf32>,
      %swap3A_330 = vector.shape_cast %swap3A_329 : vector<16xf32> to vector<16xf32>
      %swap3A_331 = vector.shape_cast %select_n3A_325 : vector<16xf32> to vector<16xf32>
      tpu.vector_store %arg5[%swap3A_328], %swap3A_331 {strides = array<i32>} : memref<8192xf32, #tpu.memory_space<vmem>>, vector<16xf32>,
      %add3A_332 = arith.addf %scan3A_259, %select_n3A_325 : vector<16xf32>
      %max3A_333 = arith.maximumf %scan3A_263, %select_n3A_325 : vector<16xf32>
      %add3A_334 = arith.constant 48 : i32
      %add3A_335 = arith.addi %mul3A_266, %add3A_334 : i32
      %get3A_336 = arith.index_cast %add3A_335 : i32 to index
      %get3A_337 = tpu.vector_load %arg5[%get3A_336] {strides = array<i32>} : memref<8192xf32, #tpu.memory_space<vmem>>, vector<16xf32>,
      %get3A_338 = vector.shape_cast %get3A_337 : vector<16xf32> to vector<16xf32>
      %add3A_339 = arith.constant 48 : i32
      %add3A_340 = arith.addi %mul3A_266, %add3A_339 : i32
      %get3A_341 = arith.index_cast %add3A_340 : i32 to index
      %get3A_342 = tpu.vector_load %arg6[%get3A_341] {strides = array<i32>} : memref<8192xf32, #tpu.memory_space<vmem>>, vector<16xf32>,
      %get3A_343 = vector.shape_cast %get3A_342 : vector<16xf32> to vector<16xf32>
      %ne3A_344 = arith.constant 0.000000e+00 : f32
      %ne3A_345 = vector.broadcast %ne3A_344 : f32 to vector<16xf32>
      %ne3A_346 = arith.cmpf one, %get3A_343, %ne3A_345 : vector<16xf32>
      %jit3A_347 = arith.constant -1.000000e+30 : f32
      %broadcast_in_dim3A_348 = vector.broadcast %jit3A_347 : f32 to vector<16xf32>
      %select_n3A_349 = arith.select %ne3A_346, %get3A_338, %broadcast_in_dim3A_348 : vector<16xi1>, vector<16xf32>
      %add3A_350 = arith.constant 48 : i32
      %add3A_351 = arith.addi %mul3A_266, %add3A_350 : i32
      %swap3A_352 = arith.index_cast %add3A_351 : i32 to index
      %swap3A_353 = tpu.vector_load %arg5[%swap3A_352] {strides = array<i32>} : memref<8192xf32, #tpu.memory_space<vmem>>, vector<16xf32>,
      %swap3A_354 = vector.shape_cast %swap3A_353 : vector<16xf32> to vector<16xf32>
      %swap3A_355 = vector.shape_cast %select_n3A_349 : vector<16xf32> to vector<16xf32>
      tpu.vector_store %arg5[%swap3A_352], %swap3A_355 {strides = array<i32>} : memref<8192xf32, #tpu.memory_space<vmem>>, vector<16xf32>,
      %add3A_356 = arith.addf %scan3A_260, %select_n3A_349 : vector<16xf32>
      %max3A_357 = arith.maximumf %scan3A_264, %select_n3A_349 : vector<16xf32>
      scf.yield %add3A_284, %add3A_308, %add3A_332, %add3A_356, %max3A_285, %max3A_309, %max3A_333, %max3A_357 : vector<16xf32>, vector<16xf32>, vector<16xf32>, vector<16xf32>, vector<16xf32>, vector<16xf32>, vector<16xf32>, vector<16xf32>
    }
    %scan3A_12 = arith.constant 128 : i32
    %add3A_13 = arith.addf %scan3A_11#0, %scan3A_11#1 : vector<16xf32>
    %add3A_14 = arith.addf %add3A_13, %scan3A_11#2 : vector<16xf32>
    %add3A_15 = arith.addf %add3A_14, %scan3A_11#3 : vector<16xf32>
    %max3A = arith.maximumf %scan3A_11#4, %scan3A_11#5 : vector<16xf32>
    %max3A_16 = arith.maximumf %scan3A_11#6, %scan3A_11#7 : vector<16xf32>
    %max3A_17 = arith.maximumf %max3A, %max3A_16 : vector<16xf32>
    %slice3A = vector.extract_strided_slice %add3A_15 {offsets = [0], sizes = [1], strides = [1]} : vector<16xf32> to vector<1xf32>
    %squeeze3A = vector.extract %slice3A[0] : f32 from vector<1xf32>
    %slice3A_18 = vector.extract_strided_slice %add3A_15 {offsets = [1], sizes = [1], strides = [1]} : vector<16xf32> to vector<1xf32>
    %squeeze3A_19 = vector.extract %slice3A_18[0] : f32 from vector<1xf32>
    %add3A_20 = arith.addf %squeeze3A, %squeeze3A_19 : f32
    %slice3A_21 = vector.extract_strided_slice %add3A_15 {offsets = [2], sizes = [1], strides = [1]} : vector<16xf32> to vector<1xf32>
    %squeeze3A_22 = vector.extract %slice3A_21[0] : f32 from vector<1xf32>
    %add3A_23 = arith.addf %add3A_20, %squeeze3A_22 : f32
    %slice3A_24 = vector.extract_strided_slice %add3A_15 {offsets = [3], sizes = [1], strides = [1]} : vector<16xf32> to vector<1xf32>
    %squeeze3A_25 = vector.extract %slice3A_24[0] : f32 from vector<1xf32>
    %add3A_26 = arith.addf %add3A_23, %squeeze3A_25 : f32
    %slice3A_27 = vector.extract_strided_slice %add3A_15 {offsets = [4], sizes = [1], strides = [1]} : vector<16xf32> to vector<1xf32>
    %squeeze3A_28 = vector.extract %slice3A_27[0] : f32 from vector<1xf32>
    %add3A_29 = arith.addf %add3A_26, %squeeze3A_28 : f32
    %slice3A_30 = vector.extract_strided_slice %add3A_15 {offsets = [5], sizes = [1], strides = [1]} : vector<16xf32> to vector<1xf32>
    %squeeze3A_31 = vector.extract %slice3A_30[0] : f32 from vector<1xf32>
    %add3A_32 = arith.addf %add3A_29, %squeeze3A_31 : f32
    %slice3A_33 = vector.extract_strided_slice %add3A_15 {offsets = [6], sizes = [1], strides = [1]} : vector<16xf32> to vector<1xf32>
    %squeeze3A_34 = vector.extract %slice3A_33[0] : f32 from vector<1xf32>
    %add3A_35 = arith.addf %add3A_32, %squeeze3A_34 : f32
    %slice3A_36 = vector.extract_strided_slice %add3A_15 {offsets = [7], sizes = [1], strides = [1]} : vector<16xf32> to vector<1xf32>
    %squeeze3A_37 = vector.extract %slice3A_36[0] : f32 from vector<1xf32>
    %add3A_38 = arith.addf %add3A_35, %squeeze3A_37 : f32
    %slice3A_39 = vector.extract_strided_slice %add3A_15 {offsets = [8], sizes = [1], strides = [1]} : vector<16xf32> to vector<1xf32>
    %squeeze3A_40 = vector.extract %slice3A_39[0] : f32 from vector<1xf32>
    %add3A_41 = arith.addf %add3A_38, %squeeze3A_40 : f32
    %slice3A_42 = vector.extract_strided_slice %add3A_15 {offsets = [9], sizes = [1], strides = [1]} : vector<16xf32> to vector<1xf32>
    %squeeze3A_43 = vector.extract %slice3A_42[0] : f32 from vector<1xf32>
    %add3A_44 = arith.addf %add3A_41, %squeeze3A_43 : f32
    %slice3A_45 = vector.extract_strided_slice %add3A_15 {offsets = [10], sizes = [1], strides = [1]} : vector<16xf32> to vector<1xf32>
    %squeeze3A_46 = vector.extract %slice3A_45[0] : f32 from vector<1xf32>
    %add3A_47 = arith.addf %add3A_44, %squeeze3A_46 : f32
    %slice3A_48 = vector.extract_strided_slice %add3A_15 {offsets = [11], sizes = [1], strides = [1]} : vector<16xf32> to vector<1xf32>
    %squeeze3A_49 = vector.extract %slice3A_48[0] : f32 from vector<1xf32>
    %add3A_50 = arith.addf %add3A_47, %squeeze3A_49 : f32
    %slice3A_51 = vector.extract_strided_slice %add3A_15 {offsets = [12], sizes = [1], strides = [1]} : vector<16xf32> to vector<1xf32>
    %squeeze3A_52 = vector.extract %slice3A_51[0] : f32 from vector<1xf32>
    %add3A_53 = arith.addf %add3A_50, %squeeze3A_52 : f32
    %slice3A_54 = vector.extract_strided_slice %add3A_15 {offsets = [13], sizes = [1], strides = [1]} : vector<16xf32> to vector<1xf32>
    %squeeze3A_55 = vector.extract %slice3A_54[0] : f32 from vector<1xf32>
    %add3A_56 = arith.addf %add3A_53, %squeeze3A_55 : f32
    %slice3A_57 = vector.extract_strided_slice %add3A_15 {offsets = [14], sizes = [1], strides = [1]} : vector<16xf32> to vector<1xf32>
    %squeeze3A_58 = vector.extract %slice3A_57[0] : f32 from vector<1xf32>
    %add3A_59 = arith.addf %add3A_56, %squeeze3A_58 : f32
    %slice3A_60 = vector.extract_strided_slice %add3A_15 {offsets = [15], sizes = [1], strides = [1]} : vector<16xf32> to vector<1xf32>
    %squeeze3A_61 = vector.extract %slice3A_60[0] : f32 from vector<1xf32>
    %add3A_62 = arith.addf %add3A_59, %squeeze3A_61 : f32
    %slice3A_63 = vector.extract_strided_slice %max3A_17 {offsets = [0], sizes = [1], strides = [1]} : vector<16xf32> to vector<1xf32>
    %squeeze3A_64 = vector.extract %slice3A_63[0] : f32 from vector<1xf32>
    %slice3A_65 = vector.extract_strided_slice %max3A_17 {offsets = [1], sizes = [1], strides = [1]} : vector<16xf32> to vector<1xf32>
    %squeeze3A_66 = vector.extract %slice3A_65[0] : f32 from vector<1xf32>
    %max3A_67 = arith.maximumf %squeeze3A_64, %squeeze3A_66 : f32
    %slice3A_68 = vector.extract_strided_slice %max3A_17 {offsets = [2], sizes = [1], strides = [1]} : vector<16xf32> to vector<1xf32>
    %squeeze3A_69 = vector.extract %slice3A_68[0] : f32 from vector<1xf32>
    %max3A_70 = arith.maximumf %max3A_67, %squeeze3A_69 : f32
    %slice3A_71 = vector.extract_strided_slice %max3A_17 {offsets = [3], sizes = [1], strides = [1]} : vector<16xf32> to vector<1xf32>
    %squeeze3A_72 = vector.extract %slice3A_71[0] : f32 from vector<1xf32>
    %max3A_73 = arith.maximumf %max3A_70, %squeeze3A_72 : f32
    %slice3A_74 = vector.extract_strided_slice %max3A_17 {offsets = [4], sizes = [1], strides = [1]} : vector<16xf32> to vector<1xf32>
    %squeeze3A_75 = vector.extract %slice3A_74[0] : f32 from vector<1xf32>
    %max3A_76 = arith.maximumf %max3A_73, %squeeze3A_75 : f32
    %slice3A_77 = vector.extract_strided_slice %max3A_17 {offsets = [5], sizes = [1], strides = [1]} : vector<16xf32> to vector<1xf32>
    %squeeze3A_78 = vector.extract %slice3A_77[0] : f32 from vector<1xf32>
    %max3A_79 = arith.maximumf %max3A_76, %squeeze3A_78 : f32
    %slice3A_80 = vector.extract_strided_slice %max3A_17 {offsets = [6], sizes = [1], strides = [1]} : vector<16xf32> to vector<1xf32>
    %squeeze3A_81 = vector.extract %slice3A_80[0] : f32 from vector<1xf32>
    %max3A_82 = arith.maximumf %max3A_79, %squeeze3A_81 : f32
    %slice3A_83 = vector.extract_strided_slice %max3A_17 {offsets = [7], sizes = [1], strides = [1]} : vector<16xf32> to vector<1xf32>
    %squeeze3A_84 = vector.extract %slice3A_83[0] : f32 from vector<1xf32>
    %max3A_85 = arith.maximumf %max3A_82, %squeeze3A_84 : f32
    %slice3A_86 = vector.extract_strided_slice %max3A_17 {offsets = [8], sizes = [1], strides = [1]} : vector<16xf32> to vector<1xf32>
    %squeeze3A_87 = vector.extract %slice3A_86[0] : f32 from vector<1xf32>
    %max3A_88 = arith.maximumf %max3A_85, %squeeze3A_87 : f32
    %slice3A_89 = vector.extract_strided_slice %max3A_17 {offsets = [9], sizes = [1], strides = [1]} : vector<16xf32> to vector<1xf32>
    %squeeze3A_90 = vector.extract %slice3A_89[0] : f32 from vector<1xf32>
    %max3A_91 = arith.maximumf %max3A_88, %squeeze3A_90 : f32
    %slice3A_92 = vector.extract_strided_slice %max3A_17 {offsets = [10], sizes = [1], strides = [1]} : vector<16xf32> to vector<1xf32>
    %squeeze3A_93 = vector.extract %slice3A_92[0] : f32 from vector<1xf32>
    %max3A_94 = arith.maximumf %max3A_91, %squeeze3A_93 : f32
    %slice3A_95 = vector.extract_strided_slice %max3A_17 {offsets = [11], sizes = [1], strides = [1]} : vector<16xf32> to vector<1xf32>
    %squeeze3A_96 = vector.extract %slice3A_95[0] : f32 from vector<1xf32>
    %max3A_97 = arith.maximumf %max3A_94, %squeeze3A_96 : f32
    %slice3A_98 = vector.extract_strided_slice %max3A_17 {offsets = [12], sizes = [1], strides = [1]} : vector<16xf32> to vector<1xf32>
    %squeeze3A_99 = vector.extract %slice3A_98[0] : f32 from vector<1xf32>
    %max3A_100 = arith.maximumf %max3A_97, %squeeze3A_99 : f32
    %slice3A_101 = vector.extract_strided_slice %max3A_17 {offsets = [13], sizes = [1], strides = [1]} : vector<16xf32> to vector<1xf32>
    %squeeze3A_102 = vector.extract %slice3A_101[0] : f32 from vector<1xf32>
    %max3A_103 = arith.maximumf %max3A_100, %squeeze3A_102 : f32
    %slice3A_104 = vector.extract_strided_slice %max3A_17 {offsets = [14], sizes = [1], strides = [1]} : vector<16xf32> to vector<1xf32>
    %squeeze3A_105 = vector.extract %slice3A_104[0] : f32 from vector<1xf32>
    %max3A_106 = arith.maximumf %max3A_103, %squeeze3A_105 : f32
    %slice3A_107 = vector.extract_strided_slice %max3A_17 {offsets = [15], sizes = [1], strides = [1]} : vector<16xf32> to vector<1xf32>
    %squeeze3A_108 = vector.extract %slice3A_107[0] : f32 from vector<1xf32>
    %max3A_109 = arith.maximumf %max3A_106, %squeeze3A_108 : f32
    %broadcast_in_dim3A_110 = vector.broadcast %max3A_109 : f32 to vector<16xf32>
    %sub3A = arith.constant 1.000000e+00 : f32
    %sub3A_111 = arith.subf %add3A_62, %sub3A : f32
    %mul3A_112 = arith.constant 1.22070313E-4 : f32
    %mul3A_113 = arith.mulf %sub3A_111, %mul3A_112 : f32
    %broadcast_in_dim3A_114 = vector.broadcast %mul3A_113 : f32 to vector<16xf32>
    %min3A = arith.minimumf %broadcast_in_dim3A_114, %broadcast_in_dim3A_110 : vector<16xf32>
    %scan3A_115 = arith.constant 0 : i32
    %scan3A_116 = arith.constant 16 : i32
    %scan3A_117 = arith.addi %scan3A_115, %scan3A_116 : i32
    %scan3A_118 = arith.constant 1 : i32
    %scan3A_119 = scf.for %scan3A_256 = %scan3A_115 to %scan3A_117 step %scan3A_118 iter_args(%scan3A_257 = %min3A) -> (vector<16xf32>)  : i32 {
      %scan3A_258 = arith.constant 0 : i32
      %scan3A_259 = arith.constant 128 : i32
      %scan3A_260 = arith.addi %scan3A_258, %scan3A_259 : i32
      %scan3A_261 = arith.constant 1 : i32
      %scan3A_262:8 = scf.for %scan3A_371 = %scan3A_258 to %scan3A_260 step %scan3A_261 iter_args(%scan3A_372 = %broadcast_in_dim3A_1, %scan3A_373 = %broadcast_in_dim3A_1, %scan3A_374 = %broadcast_in_dim3A_1, %scan3A_375 = %broadcast_in_dim3A_1, %scan3A_376 = %broadcast_in_dim3A_1, %scan3A_377 = %broadcast_in_dim3A_1, %scan3A_378 = %broadcast_in_dim3A_1, %scan3A_379 = %broadcast_in_dim3A_1) -> (vector<16xf32>, vector<16xf32>, vector<16xf32>, vector<16xf32>, vector<16xf32>, vector<16xf32>, vector<16xf32>, vector<16xf32>)  : i32 {
        %mul3A_380 = arith.constant 64 : i32
        %mul3A_381 = arith.muli %scan3A_371, %mul3A_380 : i32
        %add3A_382 = arith.constant 0 : i32
        %add3A_383 = arith.addi %mul3A_381, %add3A_382 : i32
        %get3A = arith.index_cast %add3A_383 : i32 to index
        %get3A_384 = tpu.vector_load %arg5[%get3A] {strides = array<i32>} : memref<8192xf32, #tpu.memory_space<vmem>>, vector<16xf32>,
        %get3A_385 = vector.shape_cast %get3A_384 : vector<16xf32> to vector<16xf32>
        %ge3A = arith.cmpf oge, %get3A_385, %scan3A_257 : vector<16xf32>
        %jit3A = arith.constant 0.000000e+00 : f32
        %broadcast_in_dim3A_386 = vector.broadcast %jit3A : f32 to vector<16xf32>
        %select_n3A = arith.select %ge3A, %get3A_385, %broadcast_in_dim3A_386 : vector<16xi1>, vector<16xf32>
        %add3A_387 = arith.addf %scan3A_372, %select_n3A : vector<16xf32>
        %jit3A_388 = arith.constant 1.000000e+00 : f32
        %jit3A_389 = arith.constant 0.000000e+00 : f32
        %broadcast_in_dim3A_390 = vector.broadcast %jit3A_388 : f32 to vector<16xf32>
        %broadcast_in_dim3A_391 = vector.broadcast %jit3A_389 : f32 to vector<16xf32>
        %select_n3A_392 = arith.select %ge3A, %broadcast_in_dim3A_390, %broadcast_in_dim3A_391 : vector<16xi1>, vector<16xf32>
        %add3A_393 = arith.addf %scan3A_376, %select_n3A_392 : vector<16xf32>
        %add3A_394 = arith.constant 16 : i32
        %add3A_395 = arith.addi %mul3A_381, %add3A_394 : i32
        %get3A_396 = arith.index_cast %add3A_395 : i32 to index
        %get3A_397 = tpu.vector_load %arg5[%get3A_396] {strides = array<i32>} : memref<8192xf32, #tpu.memory_space<vmem>>, vector<16xf32>,
        %get3A_398 = vector.shape_cast %get3A_397 : vector<16xf32> to vector<16xf32>
        %ge3A_399 = arith.cmpf oge, %get3A_398, %scan3A_257 : vector<16xf32>
        %jit3A_400 = arith.constant 0.000000e+00 : f32
        %broadcast_in_dim3A_401 = vector.broadcast %jit3A_400 : f32 to vector<16xf32>
        %select_n3A_402 = arith.select %ge3A_399, %get3A_398, %broadcast_in_dim3A_401 : vector<16xi1>, vector<16xf32>
        %add3A_403 = arith.addf %scan3A_373, %select_n3A_402 : vector<16xf32>
        %jit3A_404 = arith.constant 1.000000e+00 : f32
        %jit3A_405 = arith.constant 0.000000e+00 : f32
        %broadcast_in_dim3A_406 = vector.broadcast %jit3A_404 : f32 to vector<16xf32>
        %broadcast_in_dim3A_407 = vector.broadcast %jit3A_405 : f32 to vector<16xf32>
        %select_n3A_408 = arith.select %ge3A_399, %broadcast_in_dim3A_406, %broadcast_in_dim3A_407 : vector<16xi1>, vector<16xf32>
        %add3A_409 = arith.addf %scan3A_377, %select_n3A_408 : vector<16xf32>
        %add3A_410 = arith.constant 32 : i32
        %add3A_411 = arith.addi %mul3A_381, %add3A_410 : i32
        %get3A_412 = arith.index_cast %add3A_411 : i32 to index
        %get3A_413 = tpu.vector_load %arg5[%get3A_412] {strides = array<i32>} : memref<8192xf32, #tpu.memory_space<vmem>>, vector<16xf32>,
        %get3A_414 = vector.shape_cast %get3A_413 : vector<16xf32> to vector<16xf32>
        %ge3A_415 = arith.cmpf oge, %get3A_414, %scan3A_257 : vector<16xf32>
        %jit3A_416 = arith.constant 0.000000e+00 : f32
        %broadcast_in_dim3A_417 = vector.broadcast %jit3A_416 : f32 to vector<16xf32>
        %select_n3A_418 = arith.select %ge3A_415, %get3A_414, %broadcast_in_dim3A_417 : vector<16xi1>, vector<16xf32>
        %add3A_419 = arith.addf %scan3A_374, %select_n3A_418 : vector<16xf32>
        %jit3A_420 = arith.constant 1.000000e+00 : f32
        %jit3A_421 = arith.constant 0.000000e+00 : f32
        %broadcast_in_dim3A_422 = vector.broadcast %jit3A_420 : f32 to vector<16xf32>
        %broadcast_in_dim3A_423 = vector.broadcast %jit3A_421 : f32 to vector<16xf32>
        %select_n3A_424 = arith.select %ge3A_415, %broadcast_in_dim3A_422, %broadcast_in_dim3A_423 : vector<16xi1>, vector<16xf32>
        %add3A_425 = arith.addf %scan3A_378, %select_n3A_424 : vector<16xf32>
        %add3A_426 = arith.constant 48 : i32
        %add3A_427 = arith.addi %mul3A_381, %add3A_426 : i32
        %get3A_428 = arith.index_cast %add3A_427 : i32 to index
        %get3A_429 = tpu.vector_load %arg5[%get3A_428] {strides = array<i32>} : memref<8192xf32, #tpu.memory_space<vmem>>, vector<16xf32>,
        %get3A_430 = vector.shape_cast %get3A_429 : vector<16xf32> to vector<16xf32>
        %ge3A_431 = arith.cmpf oge, %get3A_430, %scan3A_257 : vector<16xf32>
        %jit3A_432 = arith.constant 0.000000e+00 : f32
        %broadcast_in_dim3A_433 = vector.broadcast %jit3A_432 : f32 to vector<16xf32>
        %select_n3A_434 = arith.select %ge3A_431, %get3A_430, %broadcast_in_dim3A_433 : vector<16xi1>, vector<16xf32>
        %add3A_435 = arith.addf %scan3A_375, %select_n3A_434 : vector<16xf32>
        %jit3A_436 = arith.constant 1.000000e+00 : f32
        %jit3A_437 = arith.constant 0.000000e+00 : f32
        %broadcast_in_dim3A_438 = vector.broadcast %jit3A_436 : f32 to vector<16xf32>
        %broadcast_in_dim3A_439 = vector.broadcast %jit3A_437 : f32 to vector<16xf32>
        %select_n3A_440 = arith.select %ge3A_431, %broadcast_in_dim3A_438, %broadcast_in_dim3A_439 : vector<16xi1>, vector<16xf32>
        %add3A_441 = arith.addf %scan3A_379, %select_n3A_440 : vector<16xf32>
        scf.yield %add3A_387, %add3A_403, %add3A_419, %add3A_435, %add3A_393, %add3A_409, %add3A_425, %add3A_441 : vector<16xf32>, vector<16xf32>, vector<16xf32>, vector<16xf32>, vector<16xf32>, vector<16xf32>, vector<16xf32>, vector<16xf32>
      }
      %scan3A_263 = arith.constant 128 : i32
      %add3A_264 = arith.addf %scan3A_262#0, %scan3A_262#1 : vector<16xf32>
      %add3A_265 = arith.addf %add3A_264, %scan3A_262#2 : vector<16xf32>
      %add3A_266 = arith.addf %add3A_265, %scan3A_262#3 : vector<16xf32>
      %add3A_267 = arith.addf %scan3A_262#4, %scan3A_262#5 : vector<16xf32>
      %add3A_268 = arith.addf %add3A_267, %scan3A_262#6 : vector<16xf32>
      %add3A_269 = arith.addf %add3A_268, %scan3A_262#7 : vector<16xf32>
      %slice3A_270 = vector.extract_strided_slice %add3A_266 {offsets = [0], sizes = [1], strides = [1]} : vector<16xf32> to vector<1xf32>
      %squeeze3A_271 = vector.extract %slice3A_270[0] : f32 from vector<1xf32>
      %slice3A_272 = vector.extract_strided_slice %add3A_266 {offsets = [1], sizes = [1], strides = [1]} : vector<16xf32> to vector<1xf32>
      %squeeze3A_273 = vector.extract %slice3A_272[0] : f32 from vector<1xf32>
      %add3A_274 = arith.addf %squeeze3A_271, %squeeze3A_273 : f32
      %slice3A_275 = vector.extract_strided_slice %add3A_266 {offsets = [2], sizes = [1], strides = [1]} : vector<16xf32> to vector<1xf32>
      %squeeze3A_276 = vector.extract %slice3A_275[0] : f32 from vector<1xf32>
      %add3A_277 = arith.addf %add3A_274, %squeeze3A_276 : f32
      %slice3A_278 = vector.extract_strided_slice %add3A_266 {offsets = [3], sizes = [1], strides = [1]} : vector<16xf32> to vector<1xf32>
      %squeeze3A_279 = vector.extract %slice3A_278[0] : f32 from vector<1xf32>
      %add3A_280 = arith.addf %add3A_277, %squeeze3A_279 : f32
      %slice3A_281 = vector.extract_strided_slice %add3A_266 {offsets = [4], sizes = [1], strides = [1]} : vector<16xf32> to vector<1xf32>
      %squeeze3A_282 = vector.extract %slice3A_281[0] : f32 from vector<1xf32>
      %add3A_283 = arith.addf %add3A_280, %squeeze3A_282 : f32
      %slice3A_284 = vector.extract_strided_slice %add3A_266 {offsets = [5], sizes = [1], strides = [1]} : vector<16xf32> to vector<1xf32>
      %squeeze3A_285 = vector.extract %slice3A_284[0] : f32 from vector<1xf32>
      %add3A_286 = arith.addf %add3A_283, %squeeze3A_285 : f32
      %slice3A_287 = vector.extract_strided_slice %add3A_266 {offsets = [6], sizes = [1], strides = [1]} : vector<16xf32> to vector<1xf32>
      %squeeze3A_288 = vector.extract %slice3A_287[0] : f32 from vector<1xf32>
      %add3A_289 = arith.addf %add3A_286, %squeeze3A_288 : f32
      %slice3A_290 = vector.extract_strided_slice %add3A_266 {offsets = [7], sizes = [1], strides = [1]} : vector<16xf32> to vector<1xf32>
      %squeeze3A_291 = vector.extract %slice3A_290[0] : f32 from vector<1xf32>
      %add3A_292 = arith.addf %add3A_289, %squeeze3A_291 : f32
      %slice3A_293 = vector.extract_strided_slice %add3A_266 {offsets = [8], sizes = [1], strides = [1]} : vector<16xf32> to vector<1xf32>
      %squeeze3A_294 = vector.extract %slice3A_293[0] : f32 from vector<1xf32>
      %add3A_295 = arith.addf %add3A_292, %squeeze3A_294 : f32
      %slice3A_296 = vector.extract_strided_slice %add3A_266 {offsets = [9], sizes = [1], strides = [1]} : vector<16xf32> to vector<1xf32>
      %squeeze3A_297 = vector.extract %slice3A_296[0] : f32 from vector<1xf32>
      %add3A_298 = arith.addf %add3A_295, %squeeze3A_297 : f32
      %slice3A_299 = vector.extract_strided_slice %add3A_266 {offsets = [10], sizes = [1], strides = [1]} : vector<16xf32> to vector<1xf32>
      %squeeze3A_300 = vector.extract %slice3A_299[0] : f32 from vector<1xf32>
      %add3A_301 = arith.addf %add3A_298, %squeeze3A_300 : f32
      %slice3A_302 = vector.extract_strided_slice %add3A_266 {offsets = [11], sizes = [1], strides = [1]} : vector<16xf32> to vector<1xf32>
      %squeeze3A_303 = vector.extract %slice3A_302[0] : f32 from vector<1xf32>
      %add3A_304 = arith.addf %add3A_301, %squeeze3A_303 : f32
      %slice3A_305 = vector.extract_strided_slice %add3A_266 {offsets = [12], sizes = [1], strides = [1]} : vector<16xf32> to vector<1xf32>
      %squeeze3A_306 = vector.extract %slice3A_305[0] : f32 from vector<1xf32>
      %add3A_307 = arith.addf %add3A_304, %squeeze3A_306 : f32
      %slice3A_308 = vector.extract_strided_slice %add3A_266 {offsets = [13], sizes = [1], strides = [1]} : vector<16xf32> to vector<1xf32>
      %squeeze3A_309 = vector.extract %slice3A_308[0] : f32 from vector<1xf32>
      %add3A_310 = arith.addf %add3A_307, %squeeze3A_309 : f32
      %slice3A_311 = vector.extract_strided_slice %add3A_266 {offsets = [14], sizes = [1], strides = [1]} : vector<16xf32> to vector<1xf32>
      %squeeze3A_312 = vector.extract %slice3A_311[0] : f32 from vector<1xf32>
      %add3A_313 = arith.addf %add3A_310, %squeeze3A_312 : f32
      %slice3A_314 = vector.extract_strided_slice %add3A_266 {offsets = [15], sizes = [1], strides = [1]} : vector<16xf32> to vector<1xf32>
      %squeeze3A_315 = vector.extract %slice3A_314[0] : f32 from vector<1xf32>
      %add3A_316 = arith.addf %add3A_313, %squeeze3A_315 : f32
      %sub3A_317 = arith.constant 1.000000e+00 : f32
      %sub3A_318 = arith.subf %add3A_316, %sub3A_317 : f32
      %broadcast_in_dim3A_319 = vector.broadcast %sub3A_318 : f32 to vector<16xf32>
      %slice3A_320 = vector.extract_strided_slice %add3A_269 {offsets = [0], sizes = [1], strides = [1]} : vector<16xf32> to vector<1xf32>
      %squeeze3A_321 = vector.extract %slice3A_320[0] : f32 from vector<1xf32>
      %slice3A_322 = vector.extract_strided_slice %add3A_269 {offsets = [1], sizes = [1], strides = [1]} : vector<16xf32> to vector<1xf32>
      %squeeze3A_323 = vector.extract %slice3A_322[0] : f32 from vector<1xf32>
      %add3A_324 = arith.addf %squeeze3A_321, %squeeze3A_323 : f32
      %slice3A_325 = vector.extract_strided_slice %add3A_269 {offsets = [2], sizes = [1], strides = [1]} : vector<16xf32> to vector<1xf32>
      %squeeze3A_326 = vector.extract %slice3A_325[0] : f32 from vector<1xf32>
      %add3A_327 = arith.addf %add3A_324, %squeeze3A_326 : f32
      %slice3A_328 = vector.extract_strided_slice %add3A_269 {offsets = [3], sizes = [1], strides = [1]} : vector<16xf32> to vector<1xf32>
      %squeeze3A_329 = vector.extract %slice3A_328[0] : f32 from vector<1xf32>
      %add3A_330 = arith.addf %add3A_327, %squeeze3A_329 : f32
      %slice3A_331 = vector.extract_strided_slice %add3A_269 {offsets = [4], sizes = [1], strides = [1]} : vector<16xf32> to vector<1xf32>
      %squeeze3A_332 = vector.extract %slice3A_331[0] : f32 from vector<1xf32>
      %add3A_333 = arith.addf %add3A_330, %squeeze3A_332 : f32
      %slice3A_334 = vector.extract_strided_slice %add3A_269 {offsets = [5], sizes = [1], strides = [1]} : vector<16xf32> to vector<1xf32>
      %squeeze3A_335 = vector.extract %slice3A_334[0] : f32 from vector<1xf32>
      %add3A_336 = arith.addf %add3A_333, %squeeze3A_335 : f32
      %slice3A_337 = vector.extract_strided_slice %add3A_269 {offsets = [6], sizes = [1], strides = [1]} : vector<16xf32> to vector<1xf32>
      %squeeze3A_338 = vector.extract %slice3A_337[0] : f32 from vector<1xf32>
      %add3A_339 = arith.addf %add3A_336, %squeeze3A_338 : f32
      %slice3A_340 = vector.extract_strided_slice %add3A_269 {offsets = [7], sizes = [1], strides = [1]} : vector<16xf32> to vector<1xf32>
      %squeeze3A_341 = vector.extract %slice3A_340[0] : f32 from vector<1xf32>
      %add3A_342 = arith.addf %add3A_339, %squeeze3A_341 : f32
      %slice3A_343 = vector.extract_strided_slice %add3A_269 {offsets = [8], sizes = [1], strides = [1]} : vector<16xf32> to vector<1xf32>
      %squeeze3A_344 = vector.extract %slice3A_343[0] : f32 from vector<1xf32>
      %add3A_345 = arith.addf %add3A_342, %squeeze3A_344 : f32
      %slice3A_346 = vector.extract_strided_slice %add3A_269 {offsets = [9], sizes = [1], strides = [1]} : vector<16xf32> to vector<1xf32>
      %squeeze3A_347 = vector.extract %slice3A_346[0] : f32 from vector<1xf32>
      %add3A_348 = arith.addf %add3A_345, %squeeze3A_347 : f32
      %slice3A_349 = vector.extract_strided_slice %add3A_269 {offsets = [10], sizes = [1], strides = [1]} : vector<16xf32> to vector<1xf32>
      %squeeze3A_350 = vector.extract %slice3A_349[0] : f32 from vector<1xf32>
      %add3A_351 = arith.addf %add3A_348, %squeeze3A_350 : f32
      %slice3A_352 = vector.extract_strided_slice %add3A_269 {offsets = [11], sizes = [1], strides = [1]} : vector<16xf32> to vector<1xf32>
      %squeeze3A_353 = vector.extract %slice3A_352[0] : f32 from vector<1xf32>
      %add3A_354 = arith.addf %add3A_351, %squeeze3A_353 : f32
      %slice3A_355 = vector.extract_strided_slice %add3A_269 {offsets = [12], sizes = [1], strides = [1]} : vector<16xf32> to vector<1xf32>
      %squeeze3A_356 = vector.extract %slice3A_355[0] : f32 from vector<1xf32>
      %add3A_357 = arith.addf %add3A_354, %squeeze3A_356 : f32
      %slice3A_358 = vector.extract_strided_slice %add3A_269 {offsets = [13], sizes = [1], strides = [1]} : vector<16xf32> to vector<1xf32>
      %squeeze3A_359 = vector.extract %slice3A_358[0] : f32 from vector<1xf32>
      %add3A_360 = arith.addf %add3A_357, %squeeze3A_359 : f32
      %slice3A_361 = vector.extract_strided_slice %add3A_269 {offsets = [14], sizes = [1], strides = [1]} : vector<16xf32> to vector<1xf32>
      %squeeze3A_362 = vector.extract %slice3A_361[0] : f32 from vector<1xf32>
      %add3A_363 = arith.addf %add3A_360, %squeeze3A_362 : f32
      %slice3A_364 = vector.extract_strided_slice %add3A_269 {offsets = [15], sizes = [1], strides = [1]} : vector<16xf32> to vector<1xf32>
      %squeeze3A_365 = vector.extract %slice3A_364[0] : f32 from vector<1xf32>
      %add3A_366 = arith.addf %add3A_363, %squeeze3A_365 : f32
      %max3A_367 = arith.constant 1.000000e+00 : f32
      %max3A_368 = arith.maximumf %add3A_366, %max3A_367 : f32
      %broadcast_in_dim3A_369 = vector.broadcast %max3A_368 : f32 to vector<16xf32>
      %div3A = arith.divf %broadcast_in_dim3A_319, %broadcast_in_dim3A_369 : vector<16xf32>
      %min3A_370 = arith.minimumf %div3A, %broadcast_in_dim3A_110 : vector<16xf32>
      scf.yield %min3A_370 : vector<16xf32>
    }
    %scan3A_120 = arith.constant 16 : i32
    %scan3A_121 = arith.constant 0 : i32
    %scan3A_122 = arith.constant 0 : i32
    %scan3A_123 = arith.constant 128 : i32
    %scan3A_124 = arith.addi %scan3A_122, %scan3A_123 : i32
    %scan3A_125 = arith.constant 1 : i32
    scf.for %scan3A_256 = %scan3A_122 to %scan3A_124 step %scan3A_125  : i32 {
      %mul3A_257 = arith.constant 64 : i32
      %mul3A_258 = arith.muli %scan3A_256, %mul3A_257 : i32
      %add3A_259 = arith.constant 0 : i32
      %add3A_260 = arith.addi %mul3A_258, %add3A_259 : i32
      %get3A = arith.index_cast %add3A_260 : i32 to index
      %get3A_261 = tpu.vector_load %arg5[%get3A] {strides = array<i32>} : memref<8192xf32, #tpu.memory_space<vmem>>, vector<16xf32>,
      %get3A_262 = vector.shape_cast %get3A_261 : vector<16xf32> to vector<16xf32>
      %sub3A_263 = arith.subf %get3A_262, %scan3A_119 : vector<16xf32>
      %max3A_264 = arith.constant 0.000000e+00 : f32
      %max3A_265 = vector.broadcast %max3A_264 : f32 to vector<16xf32>
      %max3A_266 = arith.maximumf %sub3A_263, %max3A_265 : vector<16xf32>
      %add3A_267 = arith.constant 0 : i32
      %add3A_268 = arith.addi %mul3A_258, %add3A_267 : i32
      %swap3A = arith.index_cast %add3A_268 : i32 to index
      %swap3A_269 = tpu.vector_load %arg5[%swap3A] {strides = array<i32>} : memref<8192xf32, #tpu.memory_space<vmem>>, vector<16xf32>,
      %swap3A_270 = vector.shape_cast %swap3A_269 : vector<16xf32> to vector<16xf32>
      %swap3A_271 = vector.shape_cast %max3A_266 : vector<16xf32> to vector<16xf32>
      tpu.vector_store %arg5[%swap3A], %swap3A_271 {strides = array<i32>} : memref<8192xf32, #tpu.memory_space<vmem>>, vector<16xf32>,
      %add3A_272 = arith.constant 16 : i32
      %add3A_273 = arith.addi %mul3A_258, %add3A_272 : i32
      %get3A_274 = arith.index_cast %add3A_273 : i32 to index
      %get3A_275 = tpu.vector_load %arg5[%get3A_274] {strides = array<i32>} : memref<8192xf32, #tpu.memory_space<vmem>>, vector<16xf32>,
      %get3A_276 = vector.shape_cast %get3A_275 : vector<16xf32> to vector<16xf32>
      %sub3A_277 = arith.subf %get3A_276, %scan3A_119 : vector<16xf32>
      %max3A_278 = arith.constant 0.000000e+00 : f32
      %max3A_279 = vector.broadcast %max3A_278 : f32 to vector<16xf32>
      %max3A_280 = arith.maximumf %sub3A_277, %max3A_279 : vector<16xf32>
      %add3A_281 = arith.constant 16 : i32
      %add3A_282 = arith.addi %mul3A_258, %add3A_281 : i32
      %swap3A_283 = arith.index_cast %add3A_282 : i32 to index
      %swap3A_284 = tpu.vector_load %arg5[%swap3A_283] {strides = array<i32>} : memref<8192xf32, #tpu.memory_space<vmem>>, vector<16xf32>,
      %swap3A_285 = vector.shape_cast %swap3A_284 : vector<16xf32> to vector<16xf32>
      %swap3A_286 = vector.shape_cast %max3A_280 : vector<16xf32> to vector<16xf32>
      tpu.vector_store %arg5[%swap3A_283], %swap3A_286 {strides = array<i32>} : memref<8192xf32, #tpu.memory_space<vmem>>, vector<16xf32>,
      %add3A_287 = arith.constant 32 : i32
      %add3A_288 = arith.addi %mul3A_258, %add3A_287 : i32
      %get3A_289 = arith.index_cast %add3A_288 : i32 to index
      %get3A_290 = tpu.vector_load %arg5[%get3A_289] {strides = array<i32>} : memref<8192xf32, #tpu.memory_space<vmem>>, vector<16xf32>,
      %get3A_291 = vector.shape_cast %get3A_290 : vector<16xf32> to vector<16xf32>
      %sub3A_292 = arith.subf %get3A_291, %scan3A_119 : vector<16xf32>
      %max3A_293 = arith.constant 0.000000e+00 : f32
      %max3A_294 = vector.broadcast %max3A_293 : f32 to vector<16xf32>
      %max3A_295 = arith.maximumf %sub3A_292, %max3A_294 : vector<16xf32>
      %add3A_296 = arith.constant 32 : i32
      %add3A_297 = arith.addi %mul3A_258, %add3A_296 : i32
      %swap3A_298 = arith.index_cast %add3A_297 : i32 to index
      %swap3A_299 = tpu.vector_load %arg5[%swap3A_298] {strides = array<i32>} : memref<8192xf32, #tpu.memory_space<vmem>>, vector<16xf32>,
      %swap3A_300 = vector.shape_cast %swap3A_299 : vector<16xf32> to vector<16xf32>
      %swap3A_301 = vector.shape_cast %max3A_295 : vector<16xf32> to vector<16xf32>
      tpu.vector_store %arg5[%swap3A_298], %swap3A_301 {strides = array<i32>} : memref<8192xf32, #tpu.memory_space<vmem>>, vector<16xf32>,
      %add3A_302 = arith.constant 48 : i32
      %add3A_303 = arith.addi %mul3A_258, %add3A_302 : i32
      %get3A_304 = arith.index_cast %add3A_303 : i32 to index
      %get3A_305 = tpu.vector_load %arg5[%get3A_304] {strides = array<i32>} : memref<8192xf32, #tpu.memory_space<vmem>>, vector<16xf32>,
      %get3A_306 = vector.shape_cast %get3A_305 : vector<16xf32> to vector<16xf32>
      %sub3A_307 = arith.subf %get3A_306, %scan3A_119 : vector<16xf32>
      %max3A_308 = arith.constant 0.000000e+00 : f32
      %max3A_309 = vector.broadcast %max3A_308 : f32 to vector<16xf32>
      %max3A_310 = arith.maximumf %sub3A_307, %max3A_309 : vector<16xf32>
      %add3A_311 = arith.constant 48 : i32
      %add3A_312 = arith.addi %mul3A_258, %add3A_311 : i32
      %swap3A_313 = arith.index_cast %add3A_312 : i32 to index
      %swap3A_314 = tpu.vector_load %arg5[%swap3A_313] {strides = array<i32>} : memref<8192xf32, #tpu.memory_space<vmem>>, vector<16xf32>,
      %swap3A_315 = vector.shape_cast %swap3A_314 : vector<16xf32> to vector<16xf32>
      %swap3A_316 = vector.shape_cast %max3A_310 : vector<16xf32> to vector<16xf32>
      tpu.vector_store %arg5[%swap3A_313], %swap3A_316 {strides = array<i32>} : memref<8192xf32, #tpu.memory_space<vmem>>, vector<16xf32>,
    }
    %scan3A_126 = arith.constant 128 : i32
    "tpu.region"() ({
      %run_scoped3A = tpu.sem_alloc : memref<!tpu.dma_semaphore, #tpu.memory_space<semaphore_mem>>
      %dma_start3A = arith.constant 0 : i32
      %dma_start3A_256 = tpu.memref_slice %arg4[%add3A_7, %dma_start3A] : memref<64x8192xf32, #tpu.memory_space<hbm>> -> memref<1x8192xf32, #tpu.memory_space<hbm>>
      %dma_start3A_257 = tpu.memref_squeeze %dma_start3A_256 : memref<1x8192xf32, #tpu.memory_space<hbm>> -> memref<8192xf32, #tpu.memory_space<hbm>>
      %dma_start3A_258 = arith.constant 0 : i32
      %dma_start3A_259 = tpu.memref_slice %arg4[%add3A_7, %dma_start3A_258] : memref<64x8192xf32, #tpu.memory_space<hbm>> -> memref<1x8192xf32, #tpu.memory_space<hbm>>
      %dma_start3A_260 = tpu.memref_squeeze %dma_start3A_259 : memref<1x8192xf32, #tpu.memory_space<hbm>> -> memref<8192xf32, #tpu.memory_space<hbm>>
      tpu.enqueue_dma source(%arg5 : memref<8192xf32, #tpu.memory_space<vmem>>) target(%dma_start3A_260 : memref<8192xf32, #tpu.memory_space<hbm>>) target_semaphore(%run_scoped3A : memref<!tpu.dma_semaphore, #tpu.memory_space<semaphore_mem>>)
      %dma_wait3A = arith.constant 0 : i32
      %dma_wait3A_261 = tpu.memref_slice %arg4[%add3A_7, %dma_wait3A] : memref<64x8192xf32, #tpu.memory_space<hbm>> -> memref<1x8192xf32, #tpu.memory_space<hbm>>
      %dma_wait3A_262 = tpu.memref_squeeze %dma_wait3A_261 : memref<1x8192xf32, #tpu.memory_space<hbm>> -> memref<8192xf32, #tpu.memory_space<hbm>>
      %dma_wait3A_263 = arith.constant 0 : i32
      %dma_wait3A_264 = tpu.memref_slice %arg4[%add3A_7, %dma_wait3A_263] : memref<64x8192xf32, #tpu.memory_space<hbm>> -> memref<1x8192xf32, #tpu.memory_space<hbm>>
      %dma_wait3A_265 = tpu.memref_squeeze %dma_wait3A_264 : memref<1x8192xf32, #tpu.memory_space<hbm>> -> memref<8192xf32, #tpu.memory_space<hbm>>
      tpu.wait_dma2 semaphore(%run_scoped3A : memref<!tpu.dma_semaphore, #tpu.memory_space<semaphore_mem>>) src(%arg5 : memref<8192xf32, #tpu.memory_space<vmem>>) dst(%dma_wait3A_265 : memref<8192xf32, #tpu.memory_space<hbm>>)
      tpu.yield
    }) : () -> ()
    %mul3A_127 = arith.constant 2 : i32
    %mul3A_128 = arith.muli %add3A, %mul3A_127 : i32
    %add3A_129 = arith.constant 1 : i32
    %add3A_130 = arith.addi %mul3A_128, %add3A_129 : i32
    "tpu.region"() ({
      %run_scoped3A = tpu.sem_alloc : memref<!tpu.dma_semaphore, #tpu.memory_space<semaphore_mem>>
      %dma_start3A = arith.constant 0 : i32
      %dma_start3A_256 = tpu.memref_slice %arg2[%add3A_130, %dma_start3A] : memref<64x8192xf32, #tpu.memory_space<hbm>> -> memref<1x8192xf32, #tpu.memory_space<hbm>>
      %dma_start3A_257 = tpu.memref_squeeze %dma_start3A_256 : memref<1x8192xf32, #tpu.memory_space<hbm>> -> memref<8192xf32, #tpu.memory_space<hbm>>
      %dma_start3A_258 = arith.constant 0 : i32
      %dma_start3A_259 = tpu.memref_slice %arg2[%add3A_130, %dma_start3A_258] : memref<64x8192xf32, #tpu.memory_space<hbm>> -> memref<1x8192xf32, #tpu.memory_space<hbm>>
      %dma_start3A_260 = tpu.memref_squeeze %dma_start3A_259 : memref<1x8192xf32, #tpu.memory_space<hbm>> -> memref<8192xf32, #tpu.memory_space<hbm>>
      tpu.enqueue_dma source(%dma_start3A_260 : memref<8192xf32, #tpu.memory_space<hbm>>) target(%arg5 : memref<8192xf32, #tpu.memory_space<vmem>>) target_semaphore(%run_scoped3A : memref<!tpu.dma_semaphore, #tpu.memory_space<semaphore_mem>>)
      %dma_wait3A = arith.constant 0 : i32
      %dma_wait3A_261 = tpu.memref_slice %arg2[%add3A_130, %dma_wait3A] : memref<64x8192xf32, #tpu.memory_space<hbm>> -> memref<1x8192xf32, #tpu.memory_space<hbm>>
      %dma_wait3A_262 = tpu.memref_squeeze %dma_wait3A_261 : memref<1x8192xf32, #tpu.memory_space<hbm>> -> memref<8192xf32, #tpu.memory_space<hbm>>
      %dma_wait3A_263 = arith.constant 0 : i32
      %dma_wait3A_264 = tpu.memref_slice %arg2[%add3A_130, %dma_wait3A_263] : memref<64x8192xf32, #tpu.memory_space<hbm>> -> memref<1x8192xf32, #tpu.memory_space<hbm>>
      %dma_wait3A_265 = tpu.memref_squeeze %dma_wait3A_264 : memref<1x8192xf32, #tpu.memory_space<hbm>> -> memref<8192xf32, #tpu.memory_space<hbm>>
      tpu.wait_dma2 semaphore(%run_scoped3A : memref<!tpu.dma_semaphore, #tpu.memory_space<semaphore_mem>>) src(%dma_wait3A_265 : memref<8192xf32, #tpu.memory_space<hbm>>) dst(%arg5 : memref<8192xf32, #tpu.memory_space<vmem>>)
      tpu.yield
    }) : () -> ()
    "tpu.region"() ({
      %run_scoped3A = tpu.sem_alloc : memref<!tpu.dma_semaphore, #tpu.memory_space<semaphore_mem>>
      %dma_start3A = arith.constant 0 : i32
      %dma_start3A_256 = tpu.memref_slice %arg3[%add3A_130, %dma_start3A] : memref<64x8192xf32, #tpu.memory_space<hbm>> -> memref<1x8192xf32, #tpu.memory_space<hbm>>
      %dma_start3A_257 = tpu.memref_squeeze %dma_start3A_256 : memref<1x8192xf32, #tpu.memory_space<hbm>> -> memref<8192xf32, #tpu.memory_space<hbm>>
      %dma_start3A_258 = arith.constant 0 : i32
      %dma_start3A_259 = tpu.memref_slice %arg3[%add3A_130, %dma_start3A_258] : memref<64x8192xf32, #tpu.memory_space<hbm>> -> memref<1x8192xf32, #tpu.memory_space<hbm>>
      %dma_start3A_260 = tpu.memref_squeeze %dma_start3A_259 : memref<1x8192xf32, #tpu.memory_space<hbm>> -> memref<8192xf32, #tpu.memory_space<hbm>>
      tpu.enqueue_dma source(%dma_start3A_260 : memref<8192xf32, #tpu.memory_space<hbm>>) target(%arg6 : memref<8192xf32, #tpu.memory_space<vmem>>) target_semaphore(%run_scoped3A : memref<!tpu.dma_semaphore, #tpu.memory_space<semaphore_mem>>)
      %dma_wait3A = arith.constant 0 : i32
      %dma_wait3A_261 = tpu.memref_slice %arg3[%add3A_130, %dma_wait3A] : memref<64x8192xf32, #tpu.memory_space<hbm>> -> memref<1x8192xf32, #tpu.memory_space<hbm>>
      %dma_wait3A_262 = tpu.memref_squeeze %dma_wait3A_261 : memref<1x8192xf32, #tpu.memory_space<hbm>> -> memref<8192xf32, #tpu.memory_space<hbm>>
      %dma_wait3A_263 = arith.constant 0 : i32
      %dma_wait3A_264 = tpu.memref_slice %arg3[%add3A_130, %dma_wait3A_263] : memref<64x8192xf32, #tpu.memory_space<hbm>> -> memref<1x8192xf32, #tpu.memory_space<hbm>>
      %dma_wait3A_265 = tpu.memref_squeeze %dma_wait3A_264 : memref<1x8192xf32, #tpu.memory_space<hbm>> -> memref<8192xf32, #tpu.memory_space<hbm>>
      tpu.wait_dma2 semaphore(%run_scoped3A : memref<!tpu.dma_semaphore, #tpu.memory_space<semaphore_mem>>) src(%dma_wait3A_265 : memref<8192xf32, #tpu.memory_space<hbm>>) dst(%arg6 : memref<8192xf32, #tpu.memory_space<vmem>>)
      tpu.yield
    }) : () -> ()
    %scan3A_131 = arith.constant 0 : i32
    %scan3A_132 = arith.constant 128 : i32
    %scan3A_133 = arith.addi %scan3A_131, %scan3A_132 : i32
    %scan3A_134 = arith.constant 1 : i32
    %scan3A_135:8 = scf.for %scan3A_256 = %scan3A_131 to %scan3A_133 step %scan3A_134 iter_args(%scan3A_257 = %broadcast_in_dim3A_1, %scan3A_258 = %broadcast_in_dim3A_1, %scan3A_259 = %broadcast_in_dim3A_1, %scan3A_260 = %broadcast_in_dim3A_1, %scan3A_261 = %broadcast_in_dim3A_3, %scan3A_262 = %broadcast_in_dim3A_3, %scan3A_263 = %broadcast_in_dim3A_3, %scan3A_264 = %broadcast_in_dim3A_3) -> (vector<16xf32>, vector<16xf32>, vector<16xf32>, vector<16xf32>, vector<16xf32>, vector<16xf32>, vector<16xf32>, vector<16xf32>)  : i32 {
      %mul3A_265 = arith.constant 64 : i32
      %mul3A_266 = arith.muli %scan3A_256, %mul3A_265 : i32
      %add3A_267 = arith.constant 0 : i32
      %add3A_268 = arith.addi %mul3A_266, %add3A_267 : i32
      %get3A = arith.index_cast %add3A_268 : i32 to index
      %get3A_269 = tpu.vector_load %arg5[%get3A] {strides = array<i32>} : memref<8192xf32, #tpu.memory_space<vmem>>, vector<16xf32>,
      %get3A_270 = vector.shape_cast %get3A_269 : vector<16xf32> to vector<16xf32>
      %add3A_271 = arith.constant 0 : i32
      %add3A_272 = arith.addi %mul3A_266, %add3A_271 : i32
      %get3A_273 = arith.index_cast %add3A_272 : i32 to index
      %get3A_274 = tpu.vector_load %arg6[%get3A_273] {strides = array<i32>} : memref<8192xf32, #tpu.memory_space<vmem>>, vector<16xf32>,
      %get3A_275 = vector.shape_cast %get3A_274 : vector<16xf32> to vector<16xf32>
      %ne3A = arith.constant 0.000000e+00 : f32
      %ne3A_276 = vector.broadcast %ne3A : f32 to vector<16xf32>
      %ne3A_277 = arith.cmpf one, %get3A_275, %ne3A_276 : vector<16xf32>
      %jit3A = arith.constant -1.000000e+30 : f32
      %broadcast_in_dim3A_278 = vector.broadcast %jit3A : f32 to vector<16xf32>
      %select_n3A = arith.select %ne3A_277, %get3A_270, %broadcast_in_dim3A_278 : vector<16xi1>, vector<16xf32>
      %add3A_279 = arith.constant 0 : i32
      %add3A_280 = arith.addi %mul3A_266, %add3A_279 : i32
      %swap3A = arith.index_cast %add3A_280 : i32 to index
      %swap3A_281 = tpu.vector_load %arg5[%swap3A] {strides = array<i32>} : memref<8192xf32, #tpu.memory_space<vmem>>, vector<16xf32>,
      %swap3A_282 = vector.shape_cast %swap3A_281 : vector<16xf32> to vector<16xf32>
      %swap3A_283 = vector.shape_cast %select_n3A : vector<16xf32> to vector<16xf32>
      tpu.vector_store %arg5[%swap3A], %swap3A_283 {strides = array<i32>} : memref<8192xf32, #tpu.memory_space<vmem>>, vector<16xf32>,
      %add3A_284 = arith.addf %scan3A_257, %select_n3A : vector<16xf32>
      %max3A_285 = arith.maximumf %scan3A_261, %select_n3A : vector<16xf32>
      %add3A_286 = arith.constant 16 : i32
      %add3A_287 = arith.addi %mul3A_266, %add3A_286 : i32
      %get3A_288 = arith.index_cast %add3A_287 : i32 to index
      %get3A_289 = tpu.vector_load %arg5[%get3A_288] {strides = array<i32>} : memref<8192xf32, #tpu.memory_space<vmem>>, vector<16xf32>,
      %get3A_290 = vector.shape_cast %get3A_289 : vector<16xf32> to vector<16xf32>
      %add3A_291 = arith.constant 16 : i32
      %add3A_292 = arith.addi %mul3A_266, %add3A_291 : i32
      %get3A_293 = arith.index_cast %add3A_292 : i32 to index
      %get3A_294 = tpu.vector_load %arg6[%get3A_293] {strides = array<i32>} : memref<8192xf32, #tpu.memory_space<vmem>>, vector<16xf32>,
      %get3A_295 = vector.shape_cast %get3A_294 : vector<16xf32> to vector<16xf32>
      %ne3A_296 = arith.constant 0.000000e+00 : f32
      %ne3A_297 = vector.broadcast %ne3A_296 : f32 to vector<16xf32>
      %ne3A_298 = arith.cmpf one, %get3A_295, %ne3A_297 : vector<16xf32>
      %jit3A_299 = arith.constant -1.000000e+30 : f32
      %broadcast_in_dim3A_300 = vector.broadcast %jit3A_299 : f32 to vector<16xf32>
      %select_n3A_301 = arith.select %ne3A_298, %get3A_290, %broadcast_in_dim3A_300 : vector<16xi1>, vector<16xf32>
      %add3A_302 = arith.constant 16 : i32
      %add3A_303 = arith.addi %mul3A_266, %add3A_302 : i32
      %swap3A_304 = arith.index_cast %add3A_303 : i32 to index
      %swap3A_305 = tpu.vector_load %arg5[%swap3A_304] {strides = array<i32>} : memref<8192xf32, #tpu.memory_space<vmem>>, vector<16xf32>,
      %swap3A_306 = vector.shape_cast %swap3A_305 : vector<16xf32> to vector<16xf32>
      %swap3A_307 = vector.shape_cast %select_n3A_301 : vector<16xf32> to vector<16xf32>
      tpu.vector_store %arg5[%swap3A_304], %swap3A_307 {strides = array<i32>} : memref<8192xf32, #tpu.memory_space<vmem>>, vector<16xf32>,
      %add3A_308 = arith.addf %scan3A_258, %select_n3A_301 : vector<16xf32>
      %max3A_309 = arith.maximumf %scan3A_262, %select_n3A_301 : vector<16xf32>
      %add3A_310 = arith.constant 32 : i32
      %add3A_311 = arith.addi %mul3A_266, %add3A_310 : i32
      %get3A_312 = arith.index_cast %add3A_311 : i32 to index
      %get3A_313 = tpu.vector_load %arg5[%get3A_312] {strides = array<i32>} : memref<8192xf32, #tpu.memory_space<vmem>>, vector<16xf32>,
      %get3A_314 = vector.shape_cast %get3A_313 : vector<16xf32> to vector<16xf32>
      %add3A_315 = arith.constant 32 : i32
      %add3A_316 = arith.addi %mul3A_266, %add3A_315 : i32
      %get3A_317 = arith.index_cast %add3A_316 : i32 to index
      %get3A_318 = tpu.vector_load %arg6[%get3A_317] {strides = array<i32>} : memref<8192xf32, #tpu.memory_space<vmem>>, vector<16xf32>,
      %get3A_319 = vector.shape_cast %get3A_318 : vector<16xf32> to vector<16xf32>
      %ne3A_320 = arith.constant 0.000000e+00 : f32
      %ne3A_321 = vector.broadcast %ne3A_320 : f32 to vector<16xf32>
      %ne3A_322 = arith.cmpf one, %get3A_319, %ne3A_321 : vector<16xf32>
      %jit3A_323 = arith.constant -1.000000e+30 : f32
      %broadcast_in_dim3A_324 = vector.broadcast %jit3A_323 : f32 to vector<16xf32>
      %select_n3A_325 = arith.select %ne3A_322, %get3A_314, %broadcast_in_dim3A_324 : vector<16xi1>, vector<16xf32>
      %add3A_326 = arith.constant 32 : i32
      %add3A_327 = arith.addi %mul3A_266, %add3A_326 : i32
      %swap3A_328 = arith.index_cast %add3A_327 : i32 to index
      %swap3A_329 = tpu.vector_load %arg5[%swap3A_328] {strides = array<i32>} : memref<8192xf32, #tpu.memory_space<vmem>>, vector<16xf32>,
      %swap3A_330 = vector.shape_cast %swap3A_329 : vector<16xf32> to vector<16xf32>
      %swap3A_331 = vector.shape_cast %select_n3A_325 : vector<16xf32> to vector<16xf32>
      tpu.vector_store %arg5[%swap3A_328], %swap3A_331 {strides = array<i32>} : memref<8192xf32, #tpu.memory_space<vmem>>, vector<16xf32>,
      %add3A_332 = arith.addf %scan3A_259, %select_n3A_325 : vector<16xf32>
      %max3A_333 = arith.maximumf %scan3A_263, %select_n3A_325 : vector<16xf32>
      %add3A_334 = arith.constant 48 : i32
      %add3A_335 = arith.addi %mul3A_266, %add3A_334 : i32
      %get3A_336 = arith.index_cast %add3A_335 : i32 to index
      %get3A_337 = tpu.vector_load %arg5[%get3A_336] {strides = array<i32>} : memref<8192xf32, #tpu.memory_space<vmem>>, vector<16xf32>,
      %get3A_338 = vector.shape_cast %get3A_337 : vector<16xf32> to vector<16xf32>
      %add3A_339 = arith.constant 48 : i32
      %add3A_340 = arith.addi %mul3A_266, %add3A_339 : i32
      %get3A_341 = arith.index_cast %add3A_340 : i32 to index
      %get3A_342 = tpu.vector_load %arg6[%get3A_341] {strides = array<i32>} : memref<8192xf32, #tpu.memory_space<vmem>>, vector<16xf32>,
      %get3A_343 = vector.shape_cast %get3A_342 : vector<16xf32> to vector<16xf32>
      %ne3A_344 = arith.constant 0.000000e+00 : f32
      %ne3A_345 = vector.broadcast %ne3A_344 : f32 to vector<16xf32>
      %ne3A_346 = arith.cmpf one, %get3A_343, %ne3A_345 : vector<16xf32>
      %jit3A_347 = arith.constant -1.000000e+30 : f32
      %broadcast_in_dim3A_348 = vector.broadcast %jit3A_347 : f32 to vector<16xf32>
      %select_n3A_349 = arith.select %ne3A_346, %get3A_338, %broadcast_in_dim3A_348 : vector<16xi1>, vector<16xf32>
      %add3A_350 = arith.constant 48 : i32
      %add3A_351 = arith.addi %mul3A_266, %add3A_350 : i32
      %swap3A_352 = arith.index_cast %add3A_351 : i32 to index
      %swap3A_353 = tpu.vector_load %arg5[%swap3A_352] {strides = array<i32>} : memref<8192xf32, #tpu.memory_space<vmem>>, vector<16xf32>,
      %swap3A_354 = vector.shape_cast %swap3A_353 : vector<16xf32> to vector<16xf32>
      %swap3A_355 = vector.shape_cast %select_n3A_349 : vector<16xf32> to vector<16xf32>
      tpu.vector_store %arg5[%swap3A_352], %swap3A_355 {strides = array<i32>} : memref<8192xf32, #tpu.memory_space<vmem>>, vector<16xf32>,
      %add3A_356 = arith.addf %scan3A_260, %select_n3A_349 : vector<16xf32>
      %max3A_357 = arith.maximumf %scan3A_264, %select_n3A_349 : vector<16xf32>
      scf.yield %add3A_284, %add3A_308, %add3A_332, %add3A_356, %max3A_285, %max3A_309, %max3A_333, %max3A_357 : vector<16xf32>, vector<16xf32>, vector<16xf32>, vector<16xf32>, vector<16xf32>, vector<16xf32>, vector<16xf32>, vector<16xf32>
    }
    %scan3A_136 = arith.constant 128 : i32
    %add3A_137 = arith.addf %scan3A_135#0, %scan3A_135#1 : vector<16xf32>
    %add3A_138 = arith.addf %add3A_137, %scan3A_135#2 : vector<16xf32>
    %add3A_139 = arith.addf %add3A_138, %scan3A_135#3 : vector<16xf32>
    %max3A_140 = arith.maximumf %scan3A_135#4, %scan3A_135#5 : vector<16xf32>
    %max3A_141 = arith.maximumf %scan3A_135#6, %scan3A_135#7 : vector<16xf32>
    %max3A_142 = arith.maximumf %max3A_140, %max3A_141 : vector<16xf32>
    %slice3A_143 = vector.extract_strided_slice %add3A_139 {offsets = [0], sizes = [1], strides = [1]} : vector<16xf32> to vector<1xf32>
    %squeeze3A_144 = vector.extract %slice3A_143[0] : f32 from vector<1xf32>
    %slice3A_145 = vector.extract_strided_slice %add3A_139 {offsets = [1], sizes = [1], strides = [1]} : vector<16xf32> to vector<1xf32>
    %squeeze3A_146 = vector.extract %slice3A_145[0] : f32 from vector<1xf32>
    %add3A_147 = arith.addf %squeeze3A_144, %squeeze3A_146 : f32
    %slice3A_148 = vector.extract_strided_slice %add3A_139 {offsets = [2], sizes = [1], strides = [1]} : vector<16xf32> to vector<1xf32>
    %squeeze3A_149 = vector.extract %slice3A_148[0] : f32 from vector<1xf32>
    %add3A_150 = arith.addf %add3A_147, %squeeze3A_149 : f32
    %slice3A_151 = vector.extract_strided_slice %add3A_139 {offsets = [3], sizes = [1], strides = [1]} : vector<16xf32> to vector<1xf32>
    %squeeze3A_152 = vector.extract %slice3A_151[0] : f32 from vector<1xf32>
    %add3A_153 = arith.addf %add3A_150, %squeeze3A_152 : f32
    %slice3A_154 = vector.extract_strided_slice %add3A_139 {offsets = [4], sizes = [1], strides = [1]} : vector<16xf32> to vector<1xf32>
    %squeeze3A_155 = vector.extract %slice3A_154[0] : f32 from vector<1xf32>
    %add3A_156 = arith.addf %add3A_153, %squeeze3A_155 : f32
    %slice3A_157 = vector.extract_strided_slice %add3A_139 {offsets = [5], sizes = [1], strides = [1]} : vector<16xf32> to vector<1xf32>
    %squeeze3A_158 = vector.extract %slice3A_157[0] : f32 from vector<1xf32>
    %add3A_159 = arith.addf %add3A_156, %squeeze3A_158 : f32
    %slice3A_160 = vector.extract_strided_slice %add3A_139 {offsets = [6], sizes = [1], strides = [1]} : vector<16xf32> to vector<1xf32>
    %squeeze3A_161 = vector.extract %slice3A_160[0] : f32 from vector<1xf32>
    %add3A_162 = arith.addf %add3A_159, %squeeze3A_161 : f32
    %slice3A_163 = vector.extract_strided_slice %add3A_139 {offsets = [7], sizes = [1], strides = [1]} : vector<16xf32> to vector<1xf32>
    %squeeze3A_164 = vector.extract %slice3A_163[0] : f32 from vector<1xf32>
    %add3A_165 = arith.addf %add3A_162, %squeeze3A_164 : f32
    %slice3A_166 = vector.extract_strided_slice %add3A_139 {offsets = [8], sizes = [1], strides = [1]} : vector<16xf32> to vector<1xf32>
    %squeeze3A_167 = vector.extract %slice3A_166[0] : f32 from vector<1xf32>
    %add3A_168 = arith.addf %add3A_165, %squeeze3A_167 : f32
    %slice3A_169 = vector.extract_strided_slice %add3A_139 {offsets = [9], sizes = [1], strides = [1]} : vector<16xf32> to vector<1xf32>
    %squeeze3A_170 = vector.extract %slice3A_169[0] : f32 from vector<1xf32>
    %add3A_171 = arith.addf %add3A_168, %squeeze3A_170 : f32
    %slice3A_172 = vector.extract_strided_slice %add3A_139 {offsets = [10], sizes = [1], strides = [1]} : vector<16xf32> to vector<1xf32>
    %squeeze3A_173 = vector.extract %slice3A_172[0] : f32 from vector<1xf32>
    %add3A_174 = arith.addf %add3A_171, %squeeze3A_173 : f32
    %slice3A_175 = vector.extract_strided_slice %add3A_139 {offsets = [11], sizes = [1], strides = [1]} : vector<16xf32> to vector<1xf32>
    %squeeze3A_176 = vector.extract %slice3A_175[0] : f32 from vector<1xf32>
    %add3A_177 = arith.addf %add3A_174, %squeeze3A_176 : f32
    %slice3A_178 = vector.extract_strided_slice %add3A_139 {offsets = [12], sizes = [1], strides = [1]} : vector<16xf32> to vector<1xf32>
    %squeeze3A_179 = vector.extract %slice3A_178[0] : f32 from vector<1xf32>
    %add3A_180 = arith.addf %add3A_177, %squeeze3A_179 : f32
    %slice3A_181 = vector.extract_strided_slice %add3A_139 {offsets = [13], sizes = [1], strides = [1]} : vector<16xf32> to vector<1xf32>
    %squeeze3A_182 = vector.extract %slice3A_181[0] : f32 from vector<1xf32>
    %add3A_183 = arith.addf %add3A_180, %squeeze3A_182 : f32
    %slice3A_184 = vector.extract_strided_slice %add3A_139 {offsets = [14], sizes = [1], strides = [1]} : vector<16xf32> to vector<1xf32>
    %squeeze3A_185 = vector.extract %slice3A_184[0] : f32 from vector<1xf32>
    %add3A_186 = arith.addf %add3A_183, %squeeze3A_185 : f32
    %slice3A_187 = vector.extract_strided_slice %add3A_139 {offsets = [15], sizes = [1], strides = [1]} : vector<16xf32> to vector<1xf32>
    %squeeze3A_188 = vector.extract %slice3A_187[0] : f32 from vector<1xf32>
    %add3A_189 = arith.addf %add3A_186, %squeeze3A_188 : f32
    %slice3A_190 = vector.extract_strided_slice %max3A_142 {offsets = [0], sizes = [1], strides = [1]} : vector<16xf32> to vector<1xf32>
    %squeeze3A_191 = vector.extract %slice3A_190[0] : f32 from vector<1xf32>
    %slice3A_192 = vector.extract_strided_slice %max3A_142 {offsets = [1], sizes = [1], strides = [1]} : vector<16xf32> to vector<1xf32>
    %squeeze3A_193 = vector.extract %slice3A_192[0] : f32 from vector<1xf32>
    %max3A_194 = arith.maximumf %squeeze3A_191, %squeeze3A_193 : f32
    %slice3A_195 = vector.extract_strided_slice %max3A_142 {offsets = [2], sizes = [1], strides = [1]} : vector<16xf32> to vector<1xf32>
    %squeeze3A_196 = vector.extract %slice3A_195[0] : f32 from vector<1xf32>
    %max3A_197 = arith.maximumf %max3A_194, %squeeze3A_196 : f32
    %slice3A_198 = vector.extract_strided_slice %max3A_142 {offsets = [3], sizes = [1], strides = [1]} : vector<16xf32> to vector<1xf32>
    %squeeze3A_199 = vector.extract %slice3A_198[0] : f32 from vector<1xf32>
    %max3A_200 = arith.maximumf %max3A_197, %squeeze3A_199 : f32
    %slice3A_201 = vector.extract_strided_slice %max3A_142 {offsets = [4], sizes = [1], strides = [1]} : vector<16xf32> to vector<1xf32>
    %squeeze3A_202 = vector.extract %slice3A_201[0] : f32 from vector<1xf32>
    %max3A_203 = arith.maximumf %max3A_200, %squeeze3A_202 : f32
    %slice3A_204 = vector.extract_strided_slice %max3A_142 {offsets = [5], sizes = [1], strides = [1]} : vector<16xf32> to vector<1xf32>
    %squeeze3A_205 = vector.extract %slice3A_204[0] : f32 from vector<1xf32>
    %max3A_206 = arith.maximumf %max3A_203, %squeeze3A_205 : f32
    %slice3A_207 = vector.extract_strided_slice %max3A_142 {offsets = [6], sizes = [1], strides = [1]} : vector<16xf32> to vector<1xf32>
    %squeeze3A_208 = vector.extract %slice3A_207[0] : f32 from vector<1xf32>
    %max3A_209 = arith.maximumf %max3A_206, %squeeze3A_208 : f32
    %slice3A_210 = vector.extract_strided_slice %max3A_142 {offsets = [7], sizes = [1], strides = [1]} : vector<16xf32> to vector<1xf32>
    %squeeze3A_211 = vector.extract %slice3A_210[0] : f32 from vector<1xf32>
    %max3A_212 = arith.maximumf %max3A_209, %squeeze3A_211 : f32
    %slice3A_213 = vector.extract_strided_slice %max3A_142 {offsets = [8], sizes = [1], strides = [1]} : vector<16xf32> to vector<1xf32>
    %squeeze3A_214 = vector.extract %slice3A_213[0] : f32 from vector<1xf32>
    %max3A_215 = arith.maximumf %max3A_212, %squeeze3A_214 : f32
    %slice3A_216 = vector.extract_strided_slice %max3A_142 {offsets = [9], sizes = [1], strides = [1]} : vector<16xf32> to vector<1xf32>
    %squeeze3A_217 = vector.extract %slice3A_216[0] : f32 from vector<1xf32>
    %max3A_218 = arith.maximumf %max3A_215, %squeeze3A_217 : f32
    %slice3A_219 = vector.extract_strided_slice %max3A_142 {offsets = [10], sizes = [1], strides = [1]} : vector<16xf32> to vector<1xf32>
    %squeeze3A_220 = vector.extract %slice3A_219[0] : f32 from vector<1xf32>
    %max3A_221 = arith.maximumf %max3A_218, %squeeze3A_220 : f32
    %slice3A_222 = vector.extract_strided_slice %max3A_142 {offsets = [11], sizes = [1], strides = [1]} : vector<16xf32> to vector<1xf32>
    %squeeze3A_223 = vector.extract %slice3A_222[0] : f32 from vector<1xf32>
    %max3A_224 = arith.maximumf %max3A_221, %squeeze3A_223 : f32
    %slice3A_225 = vector.extract_strided_slice %max3A_142 {offsets = [12], sizes = [1], strides = [1]} : vector<16xf32> to vector<1xf32>
    %squeeze3A_226 = vector.extract %slice3A_225[0] : f32 from vector<1xf32>
    %max3A_227 = arith.maximumf %max3A_224, %squeeze3A_226 : f32
    %slice3A_228 = vector.extract_strided_slice %max3A_142 {offsets = [13], sizes = [1], strides = [1]} : vector<16xf32> to vector<1xf32>
    %squeeze3A_229 = vector.extract %slice3A_228[0] : f32 from vector<1xf32>
    %max3A_230 = arith.maximumf %max3A_227, %squeeze3A_229 : f32
    %slice3A_231 = vector.extract_strided_slice %max3A_142 {offsets = [14], sizes = [1], strides = [1]} : vector<16xf32> to vector<1xf32>
    %squeeze3A_232 = vector.extract %slice3A_231[0] : f32 from vector<1xf32>
    %max3A_233 = arith.maximumf %max3A_230, %squeeze3A_232 : f32
    %slice3A_234 = vector.extract_strided_slice %max3A_142 {offsets = [15], sizes = [1], strides = [1]} : vector<16xf32> to vector<1xf32>
    %squeeze3A_235 = vector.extract %slice3A_234[0] : f32 from vector<1xf32>
    %max3A_236 = arith.maximumf %max3A_233, %squeeze3A_235 : f32
    %broadcast_in_dim3A_237 = vector.broadcast %max3A_236 : f32 to vector<16xf32>
    %sub3A_238 = arith.constant 1.000000e+00 : f32
    %sub3A_239 = arith.subf %add3A_189, %sub3A_238 : f32
    %mul3A_240 = arith.constant 1.22070313E-4 : f32
    %mul3A_241 = arith.mulf %sub3A_239, %mul3A_240 : f32
    %broadcast_in_dim3A_242 = vector.broadcast %mul3A_241 : f32 to vector<16xf32>
    %min3A_243 = arith.minimumf %broadcast_in_dim3A_242, %broadcast_in_dim3A_237 : vector<16xf32>
    %scan3A_244 = arith.constant 0 : i32
    %scan3A_245 = arith.constant 16 : i32
    %scan3A_246 = arith.addi %scan3A_244, %scan3A_245 : i32
    %scan3A_247 = arith.constant 1 : i32
    %scan3A_248 = scf.for %scan3A_256 = %scan3A_244 to %scan3A_246 step %scan3A_247 iter_args(%scan3A_257 = %min3A_243) -> (vector<16xf32>)  : i32 {
      %scan3A_258 = arith.constant 0 : i32
      %scan3A_259 = arith.constant 128 : i32
      %scan3A_260 = arith.addi %scan3A_258, %scan3A_259 : i32
      %scan3A_261 = arith.constant 1 : i32
      %scan3A_262:8 = scf.for %scan3A_371 = %scan3A_258 to %scan3A_260 step %scan3A_261 iter_args(%scan3A_372 = %broadcast_in_dim3A_1, %scan3A_373 = %broadcast_in_dim3A_1, %scan3A_374 = %broadcast_in_dim3A_1, %scan3A_375 = %broadcast_in_dim3A_1, %scan3A_376 = %broadcast_in_dim3A_1, %scan3A_377 = %broadcast_in_dim3A_1, %scan3A_378 = %broadcast_in_dim3A_1, %scan3A_379 = %broadcast_in_dim3A_1) -> (vector<16xf32>, vector<16xf32>, vector<16xf32>, vector<16xf32>, vector<16xf32>, vector<16xf32>, vector<16xf32>, vector<16xf32>)  : i32 {
        %mul3A_380 = arith.constant 64 : i32
        %mul3A_381 = arith.muli %scan3A_371, %mul3A_380 : i32
        %add3A_382 = arith.constant 0 : i32
        %add3A_383 = arith.addi %mul3A_381, %add3A_382 : i32
        %get3A = arith.index_cast %add3A_383 : i32 to index
        %get3A_384 = tpu.vector_load %arg5[%get3A] {strides = array<i32>} : memref<8192xf32, #tpu.memory_space<vmem>>, vector<16xf32>,
        %get3A_385 = vector.shape_cast %get3A_384 : vector<16xf32> to vector<16xf32>
        %ge3A = arith.cmpf oge, %get3A_385, %scan3A_257 : vector<16xf32>
        %jit3A = arith.constant 0.000000e+00 : f32
        %broadcast_in_dim3A_386 = vector.broadcast %jit3A : f32 to vector<16xf32>
        %select_n3A = arith.select %ge3A, %get3A_385, %broadcast_in_dim3A_386 : vector<16xi1>, vector<16xf32>
        %add3A_387 = arith.addf %scan3A_372, %select_n3A : vector<16xf32>
        %jit3A_388 = arith.constant 1.000000e+00 : f32
        %jit3A_389 = arith.constant 0.000000e+00 : f32
        %broadcast_in_dim3A_390 = vector.broadcast %jit3A_388 : f32 to vector<16xf32>
        %broadcast_in_dim3A_391 = vector.broadcast %jit3A_389 : f32 to vector<16xf32>
        %select_n3A_392 = arith.select %ge3A, %broadcast_in_dim3A_390, %broadcast_in_dim3A_391 : vector<16xi1>, vector<16xf32>
        %add3A_393 = arith.addf %scan3A_376, %select_n3A_392 : vector<16xf32>
        %add3A_394 = arith.constant 16 : i32
        %add3A_395 = arith.addi %mul3A_381, %add3A_394 : i32
        %get3A_396 = arith.index_cast %add3A_395 : i32 to index
        %get3A_397 = tpu.vector_load %arg5[%get3A_396] {strides = array<i32>} : memref<8192xf32, #tpu.memory_space<vmem>>, vector<16xf32>,
        %get3A_398 = vector.shape_cast %get3A_397 : vector<16xf32> to vector<16xf32>
        %ge3A_399 = arith.cmpf oge, %get3A_398, %scan3A_257 : vector<16xf32>
        %jit3A_400 = arith.constant 0.000000e+00 : f32
        %broadcast_in_dim3A_401 = vector.broadcast %jit3A_400 : f32 to vector<16xf32>
        %select_n3A_402 = arith.select %ge3A_399, %get3A_398, %broadcast_in_dim3A_401 : vector<16xi1>, vector<16xf32>
        %add3A_403 = arith.addf %scan3A_373, %select_n3A_402 : vector<16xf32>
        %jit3A_404 = arith.constant 1.000000e+00 : f32
        %jit3A_405 = arith.constant 0.000000e+00 : f32
        %broadcast_in_dim3A_406 = vector.broadcast %jit3A_404 : f32 to vector<16xf32>
        %broadcast_in_dim3A_407 = vector.broadcast %jit3A_405 : f32 to vector<16xf32>
        %select_n3A_408 = arith.select %ge3A_399, %broadcast_in_dim3A_406, %broadcast_in_dim3A_407 : vector<16xi1>, vector<16xf32>
        %add3A_409 = arith.addf %scan3A_377, %select_n3A_408 : vector<16xf32>
        %add3A_410 = arith.constant 32 : i32
        %add3A_411 = arith.addi %mul3A_381, %add3A_410 : i32
        %get3A_412 = arith.index_cast %add3A_411 : i32 to index
        %get3A_413 = tpu.vector_load %arg5[%get3A_412] {strides = array<i32>} : memref<8192xf32, #tpu.memory_space<vmem>>, vector<16xf32>,
        %get3A_414 = vector.shape_cast %get3A_413 : vector<16xf32> to vector<16xf32>
        %ge3A_415 = arith.cmpf oge, %get3A_414, %scan3A_257 : vector<16xf32>
        %jit3A_416 = arith.constant 0.000000e+00 : f32
        %broadcast_in_dim3A_417 = vector.broadcast %jit3A_416 : f32 to vector<16xf32>
        %select_n3A_418 = arith.select %ge3A_415, %get3A_414, %broadcast_in_dim3A_417 : vector<16xi1>, vector<16xf32>
        %add3A_419 = arith.addf %scan3A_374, %select_n3A_418 : vector<16xf32>
        %jit3A_420 = arith.constant 1.000000e+00 : f32
        %jit3A_421 = arith.constant 0.000000e+00 : f32
        %broadcast_in_dim3A_422 = vector.broadcast %jit3A_420 : f32 to vector<16xf32>
        %broadcast_in_dim3A_423 = vector.broadcast %jit3A_421 : f32 to vector<16xf32>
        %select_n3A_424 = arith.select %ge3A_415, %broadcast_in_dim3A_422, %broadcast_in_dim3A_423 : vector<16xi1>, vector<16xf32>
        %add3A_425 = arith.addf %scan3A_378, %select_n3A_424 : vector<16xf32>
        %add3A_426 = arith.constant 48 : i32
        %add3A_427 = arith.addi %mul3A_381, %add3A_426 : i32
        %get3A_428 = arith.index_cast %add3A_427 : i32 to index
        %get3A_429 = tpu.vector_load %arg5[%get3A_428] {strides = array<i32>} : memref<8192xf32, #tpu.memory_space<vmem>>, vector<16xf32>,
        %get3A_430 = vector.shape_cast %get3A_429 : vector<16xf32> to vector<16xf32>
        %ge3A_431 = arith.cmpf oge, %get3A_430, %scan3A_257 : vector<16xf32>
        %jit3A_432 = arith.constant 0.000000e+00 : f32
        %broadcast_in_dim3A_433 = vector.broadcast %jit3A_432 : f32 to vector<16xf32>
        %select_n3A_434 = arith.select %ge3A_431, %get3A_430, %broadcast_in_dim3A_433 : vector<16xi1>, vector<16xf32>
        %add3A_435 = arith.addf %scan3A_375, %select_n3A_434 : vector<16xf32>
        %jit3A_436 = arith.constant 1.000000e+00 : f32
        %jit3A_437 = arith.constant 0.000000e+00 : f32
        %broadcast_in_dim3A_438 = vector.broadcast %jit3A_436 : f32 to vector<16xf32>
        %broadcast_in_dim3A_439 = vector.broadcast %jit3A_437 : f32 to vector<16xf32>
        %select_n3A_440 = arith.select %ge3A_431, %broadcast_in_dim3A_438, %broadcast_in_dim3A_439 : vector<16xi1>, vector<16xf32>
        %add3A_441 = arith.addf %scan3A_379, %select_n3A_440 : vector<16xf32>
        scf.yield %add3A_387, %add3A_403, %add3A_419, %add3A_435, %add3A_393, %add3A_409, %add3A_425, %add3A_441 : vector<16xf32>, vector<16xf32>, vector<16xf32>, vector<16xf32>, vector<16xf32>, vector<16xf32>, vector<16xf32>, vector<16xf32>
      }
      %scan3A_263 = arith.constant 128 : i32
      %add3A_264 = arith.addf %scan3A_262#0, %scan3A_262#1 : vector<16xf32>
      %add3A_265 = arith.addf %add3A_264, %scan3A_262#2 : vector<16xf32>
      %add3A_266 = arith.addf %add3A_265, %scan3A_262#3 : vector<16xf32>
      %add3A_267 = arith.addf %scan3A_262#4, %scan3A_262#5 : vector<16xf32>
      %add3A_268 = arith.addf %add3A_267, %scan3A_262#6 : vector<16xf32>
      %add3A_269 = arith.addf %add3A_268, %scan3A_262#7 : vector<16xf32>
      %slice3A_270 = vector.extract_strided_slice %add3A_266 {offsets = [0], sizes = [1], strides = [1]} : vector<16xf32> to vector<1xf32>
      %squeeze3A_271 = vector.extract %slice3A_270[0] : f32 from vector<1xf32>
      %slice3A_272 = vector.extract_strided_slice %add3A_266 {offsets = [1], sizes = [1], strides = [1]} : vector<16xf32> to vector<1xf32>
      %squeeze3A_273 = vector.extract %slice3A_272[0] : f32 from vector<1xf32>
      %add3A_274 = arith.addf %squeeze3A_271, %squeeze3A_273 : f32
      %slice3A_275 = vector.extract_strided_slice %add3A_266 {offsets = [2], sizes = [1], strides = [1]} : vector<16xf32> to vector<1xf32>
      %squeeze3A_276 = vector.extract %slice3A_275[0] : f32 from vector<1xf32>
      %add3A_277 = arith.addf %add3A_274, %squeeze3A_276 : f32
      %slice3A_278 = vector.extract_strided_slice %add3A_266 {offsets = [3], sizes = [1], strides = [1]} : vector<16xf32> to vector<1xf32>
      %squeeze3A_279 = vector.extract %slice3A_278[0] : f32 from vector<1xf32>
      %add3A_280 = arith.addf %add3A_277, %squeeze3A_279 : f32
      %slice3A_281 = vector.extract_strided_slice %add3A_266 {offsets = [4], sizes = [1], strides = [1]} : vector<16xf32> to vector<1xf32>
      %squeeze3A_282 = vector.extract %slice3A_281[0] : f32 from vector<1xf32>
      %add3A_283 = arith.addf %add3A_280, %squeeze3A_282 : f32
      %slice3A_284 = vector.extract_strided_slice %add3A_266 {offsets = [5], sizes = [1], strides = [1]} : vector<16xf32> to vector<1xf32>
      %squeeze3A_285 = vector.extract %slice3A_284[0] : f32 from vector<1xf32>
      %add3A_286 = arith.addf %add3A_283, %squeeze3A_285 : f32
      %slice3A_287 = vector.extract_strided_slice %add3A_266 {offsets = [6], sizes = [1], strides = [1]} : vector<16xf32> to vector<1xf32>
      %squeeze3A_288 = vector.extract %slice3A_287[0] : f32 from vector<1xf32>
      %add3A_289 = arith.addf %add3A_286, %squeeze3A_288 : f32
      %slice3A_290 = vector.extract_strided_slice %add3A_266 {offsets = [7], sizes = [1], strides = [1]} : vector<16xf32> to vector<1xf32>
      %squeeze3A_291 = vector.extract %slice3A_290[0] : f32 from vector<1xf32>
      %add3A_292 = arith.addf %add3A_289, %squeeze3A_291 : f32
      %slice3A_293 = vector.extract_strided_slice %add3A_266 {offsets = [8], sizes = [1], strides = [1]} : vector<16xf32> to vector<1xf32>
      %squeeze3A_294 = vector.extract %slice3A_293[0] : f32 from vector<1xf32>
      %add3A_295 = arith.addf %add3A_292, %squeeze3A_294 : f32
      %slice3A_296 = vector.extract_strided_slice %add3A_266 {offsets = [9], sizes = [1], strides = [1]} : vector<16xf32> to vector<1xf32>
      %squeeze3A_297 = vector.extract %slice3A_296[0] : f32 from vector<1xf32>
      %add3A_298 = arith.addf %add3A_295, %squeeze3A_297 : f32
      %slice3A_299 = vector.extract_strided_slice %add3A_266 {offsets = [10], sizes = [1], strides = [1]} : vector<16xf32> to vector<1xf32>
      %squeeze3A_300 = vector.extract %slice3A_299[0] : f32 from vector<1xf32>
      %add3A_301 = arith.addf %add3A_298, %squeeze3A_300 : f32
      %slice3A_302 = vector.extract_strided_slice %add3A_266 {offsets = [11], sizes = [1], strides = [1]} : vector<16xf32> to vector<1xf32>
      %squeeze3A_303 = vector.extract %slice3A_302[0] : f32 from vector<1xf32>
      %add3A_304 = arith.addf %add3A_301, %squeeze3A_303 : f32
      %slice3A_305 = vector.extract_strided_slice %add3A_266 {offsets = [12], sizes = [1], strides = [1]} : vector<16xf32> to vector<1xf32>
      %squeeze3A_306 = vector.extract %slice3A_305[0] : f32 from vector<1xf32>
      %add3A_307 = arith.addf %add3A_304, %squeeze3A_306 : f32
      %slice3A_308 = vector.extract_strided_slice %add3A_266 {offsets = [13], sizes = [1], strides = [1]} : vector<16xf32> to vector<1xf32>
      %squeeze3A_309 = vector.extract %slice3A_308[0] : f32 from vector<1xf32>
      %add3A_310 = arith.addf %add3A_307, %squeeze3A_309 : f32
      %slice3A_311 = vector.extract_strided_slice %add3A_266 {offsets = [14], sizes = [1], strides = [1]} : vector<16xf32> to vector<1xf32>
      %squeeze3A_312 = vector.extract %slice3A_311[0] : f32 from vector<1xf32>
      %add3A_313 = arith.addf %add3A_310, %squeeze3A_312 : f32
      %slice3A_314 = vector.extract_strided_slice %add3A_266 {offsets = [15], sizes = [1], strides = [1]} : vector<16xf32> to vector<1xf32>
      %squeeze3A_315 = vector.extract %slice3A_314[0] : f32 from vector<1xf32>
      %add3A_316 = arith.addf %add3A_313, %squeeze3A_315 : f32
      %sub3A_317 = arith.constant 1.000000e+00 : f32
      %sub3A_318 = arith.subf %add3A_316, %sub3A_317 : f32
      %broadcast_in_dim3A_319 = vector.broadcast %sub3A_318 : f32 to vector<16xf32>
      %slice3A_320 = vector.extract_strided_slice %add3A_269 {offsets = [0], sizes = [1], strides = [1]} : vector<16xf32> to vector<1xf32>
      %squeeze3A_321 = vector.extract %slice3A_320[0] : f32 from vector<1xf32>
      %slice3A_322 = vector.extract_strided_slice %add3A_269 {offsets = [1], sizes = [1], strides = [1]} : vector<16xf32> to vector<1xf32>
      %squeeze3A_323 = vector.extract %slice3A_322[0] : f32 from vector<1xf32>
      %add3A_324 = arith.addf %squeeze3A_321, %squeeze3A_323 : f32
      %slice3A_325 = vector.extract_strided_slice %add3A_269 {offsets = [2], sizes = [1], strides = [1]} : vector<16xf32> to vector<1xf32>
      %squeeze3A_326 = vector.extract %slice3A_325[0] : f32 from vector<1xf32>
      %add3A_327 = arith.addf %add3A_324, %squeeze3A_326 : f32
      %slice3A_328 = vector.extract_strided_slice %add3A_269 {offsets = [3], sizes = [1], strides = [1]} : vector<16xf32> to vector<1xf32>
      %squeeze3A_329 = vector.extract %slice3A_328[0] : f32 from vector<1xf32>
      %add3A_330 = arith.addf %add3A_327, %squeeze3A_329 : f32
      %slice3A_331 = vector.extract_strided_slice %add3A_269 {offsets = [4], sizes = [1], strides = [1]} : vector<16xf32> to vector<1xf32>
      %squeeze3A_332 = vector.extract %slice3A_331[0] : f32 from vector<1xf32>
      %add3A_333 = arith.addf %add3A_330, %squeeze3A_332 : f32
      %slice3A_334 = vector.extract_strided_slice %add3A_269 {offsets = [5], sizes = [1], strides = [1]} : vector<16xf32> to vector<1xf32>
      %squeeze3A_335 = vector.extract %slice3A_334[0] : f32 from vector<1xf32>
      %add3A_336 = arith.addf %add3A_333, %squeeze3A_335 : f32
      %slice3A_337 = vector.extract_strided_slice %add3A_269 {offsets = [6], sizes = [1], strides = [1]} : vector<16xf32> to vector<1xf32>
      %squeeze3A_338 = vector.extract %slice3A_337[0] : f32 from vector<1xf32>
      %add3A_339 = arith.addf %add3A_336, %squeeze3A_338 : f32
      %slice3A_340 = vector.extract_strided_slice %add3A_269 {offsets = [7], sizes = [1], strides = [1]} : vector<16xf32> to vector<1xf32>
      %squeeze3A_341 = vector.extract %slice3A_340[0] : f32 from vector<1xf32>
      %add3A_342 = arith.addf %add3A_339, %squeeze3A_341 : f32
      %slice3A_343 = vector.extract_strided_slice %add3A_269 {offsets = [8], sizes = [1], strides = [1]} : vector<16xf32> to vector<1xf32>
      %squeeze3A_344 = vector.extract %slice3A_343[0] : f32 from vector<1xf32>
      %add3A_345 = arith.addf %add3A_342, %squeeze3A_344 : f32
      %slice3A_346 = vector.extract_strided_slice %add3A_269 {offsets = [9], sizes = [1], strides = [1]} : vector<16xf32> to vector<1xf32>
      %squeeze3A_347 = vector.extract %slice3A_346[0] : f32 from vector<1xf32>
      %add3A_348 = arith.addf %add3A_345, %squeeze3A_347 : f32
      %slice3A_349 = vector.extract_strided_slice %add3A_269 {offsets = [10], sizes = [1], strides = [1]} : vector<16xf32> to vector<1xf32>
      %squeeze3A_350 = vector.extract %slice3A_349[0] : f32 from vector<1xf32>
      %add3A_351 = arith.addf %add3A_348, %squeeze3A_350 : f32
      %slice3A_352 = vector.extract_strided_slice %add3A_269 {offsets = [11], sizes = [1], strides = [1]} : vector<16xf32> to vector<1xf32>
      %squeeze3A_353 = vector.extract %slice3A_352[0] : f32 from vector<1xf32>
      %add3A_354 = arith.addf %add3A_351, %squeeze3A_353 : f32
      %slice3A_355 = vector.extract_strided_slice %add3A_269 {offsets = [12], sizes = [1], strides = [1]} : vector<16xf32> to vector<1xf32>
      %squeeze3A_356 = vector.extract %slice3A_355[0] : f32 from vector<1xf32>
      %add3A_357 = arith.addf %add3A_354, %squeeze3A_356 : f32
      %slice3A_358 = vector.extract_strided_slice %add3A_269 {offsets = [13], sizes = [1], strides = [1]} : vector<16xf32> to vector<1xf32>
      %squeeze3A_359 = vector.extract %slice3A_358[0] : f32 from vector<1xf32>
      %add3A_360 = arith.addf %add3A_357, %squeeze3A_359 : f32
      %slice3A_361 = vector.extract_strided_slice %add3A_269 {offsets = [14], sizes = [1], strides = [1]} : vector<16xf32> to vector<1xf32>
      %squeeze3A_362 = vector.extract %slice3A_361[0] : f32 from vector<1xf32>
      %add3A_363 = arith.addf %add3A_360, %squeeze3A_362 : f32
      %slice3A_364 = vector.extract_strided_slice %add3A_269 {offsets = [15], sizes = [1], strides = [1]} : vector<16xf32> to vector<1xf32>
      %squeeze3A_365 = vector.extract %slice3A_364[0] : f32 from vector<1xf32>
      %add3A_366 = arith.addf %add3A_363, %squeeze3A_365 : f32
      %max3A_367 = arith.constant 1.000000e+00 : f32
      %max3A_368 = arith.maximumf %add3A_366, %max3A_367 : f32
      %broadcast_in_dim3A_369 = vector.broadcast %max3A_368 : f32 to vector<16xf32>
      %div3A = arith.divf %broadcast_in_dim3A_319, %broadcast_in_dim3A_369 : vector<16xf32>
      %min3A_370 = arith.minimumf %div3A, %broadcast_in_dim3A_237 : vector<16xf32>
      scf.yield %min3A_370 : vector<16xf32>
    }
    %scan3A_249 = arith.constant 16 : i32
    %scan3A_250 = arith.constant 0 : i32
    %scan3A_251 = arith.constant 0 : i32
    %scan3A_252 = arith.constant 128 : i32
    %scan3A_253 = arith.addi %scan3A_251, %scan3A_252 : i32
    %scan3A_254 = arith.constant 1 : i32
    scf.for %scan3A_256 = %scan3A_251 to %scan3A_253 step %scan3A_254  : i32 {
      %mul3A_257 = arith.constant 64 : i32
      %mul3A_258 = arith.muli %scan3A_256, %mul3A_257 : i32
      %add3A_259 = arith.constant 0 : i32
      %add3A_260 = arith.addi %mul3A_258, %add3A_259 : i32
      %get3A = arith.index_cast %add3A_260 : i32 to index
      %get3A_261 = tpu.vector_load %arg5[%get3A] {strides = array<i32>} : memref<8192xf32, #tpu.memory_space<vmem>>, vector<16xf32>,
      %get3A_262 = vector.shape_cast %get3A_261 : vector<16xf32> to vector<16xf32>
      %sub3A_263 = arith.subf %get3A_262, %scan3A_248 : vector<16xf32>
      %max3A_264 = arith.constant 0.000000e+00 : f32
      %max3A_265 = vector.broadcast %max3A_264 : f32 to vector<16xf32>
      %max3A_266 = arith.maximumf %sub3A_263, %max3A_265 : vector<16xf32>
      %add3A_267 = arith.constant 0 : i32
      %add3A_268 = arith.addi %mul3A_258, %add3A_267 : i32
      %swap3A = arith.index_cast %add3A_268 : i32 to index
      %swap3A_269 = tpu.vector_load %arg5[%swap3A] {strides = array<i32>} : memref<8192xf32, #tpu.memory_space<vmem>>, vector<16xf32>,
      %swap3A_270 = vector.shape_cast %swap3A_269 : vector<16xf32> to vector<16xf32>
      %swap3A_271 = vector.shape_cast %max3A_266 : vector<16xf32> to vector<16xf32>
      tpu.vector_store %arg5[%swap3A], %swap3A_271 {strides = array<i32>} : memref<8192xf32, #tpu.memory_space<vmem>>, vector<16xf32>,
      %add3A_272 = arith.constant 16 : i32
      %add3A_273 = arith.addi %mul3A_258, %add3A_272 : i32
      %get3A_274 = arith.index_cast %add3A_273 : i32 to index
      %get3A_275 = tpu.vector_load %arg5[%get3A_274] {strides = array<i32>} : memref<8192xf32, #tpu.memory_space<vmem>>, vector<16xf32>,
      %get3A_276 = vector.shape_cast %get3A_275 : vector<16xf32> to vector<16xf32>
      %sub3A_277 = arith.subf %get3A_276, %scan3A_248 : vector<16xf32>
      %max3A_278 = arith.constant 0.000000e+00 : f32
      %max3A_279 = vector.broadcast %max3A_278 : f32 to vector<16xf32>
      %max3A_280 = arith.maximumf %sub3A_277, %max3A_279 : vector<16xf32>
      %add3A_281 = arith.constant 16 : i32
      %add3A_282 = arith.addi %mul3A_258, %add3A_281 : i32
      %swap3A_283 = arith.index_cast %add3A_282 : i32 to index
      %swap3A_284 = tpu.vector_load %arg5[%swap3A_283] {strides = array<i32>} : memref<8192xf32, #tpu.memory_space<vmem>>, vector<16xf32>,
      %swap3A_285 = vector.shape_cast %swap3A_284 : vector<16xf32> to vector<16xf32>
      %swap3A_286 = vector.shape_cast %max3A_280 : vector<16xf32> to vector<16xf32>
      tpu.vector_store %arg5[%swap3A_283], %swap3A_286 {strides = array<i32>} : memref<8192xf32, #tpu.memory_space<vmem>>, vector<16xf32>,
      %add3A_287 = arith.constant 32 : i32
      %add3A_288 = arith.addi %mul3A_258, %add3A_287 : i32
      %get3A_289 = arith.index_cast %add3A_288 : i32 to index
      %get3A_290 = tpu.vector_load %arg5[%get3A_289] {strides = array<i32>} : memref<8192xf32, #tpu.memory_space<vmem>>, vector<16xf32>,
      %get3A_291 = vector.shape_cast %get3A_290 : vector<16xf32> to vector<16xf32>
      %sub3A_292 = arith.subf %get3A_291, %scan3A_248 : vector<16xf32>
      %max3A_293 = arith.constant 0.000000e+00 : f32
      %max3A_294 = vector.broadcast %max3A_293 : f32 to vector<16xf32>
      %max3A_295 = arith.maximumf %sub3A_292, %max3A_294 : vector<16xf32>
      %add3A_296 = arith.constant 32 : i32
      %add3A_297 = arith.addi %mul3A_258, %add3A_296 : i32
      %swap3A_298 = arith.index_cast %add3A_297 : i32 to index
      %swap3A_299 = tpu.vector_load %arg5[%swap3A_298] {strides = array<i32>} : memref<8192xf32, #tpu.memory_space<vmem>>, vector<16xf32>,
      %swap3A_300 = vector.shape_cast %swap3A_299 : vector<16xf32> to vector<16xf32>
      %swap3A_301 = vector.shape_cast %max3A_295 : vector<16xf32> to vector<16xf32>
      tpu.vector_store %arg5[%swap3A_298], %swap3A_301 {strides = array<i32>} : memref<8192xf32, #tpu.memory_space<vmem>>, vector<16xf32>,
      %add3A_302 = arith.constant 48 : i32
      %add3A_303 = arith.addi %mul3A_258, %add3A_302 : i32
      %get3A_304 = arith.index_cast %add3A_303 : i32 to index
      %get3A_305 = tpu.vector_load %arg5[%get3A_304] {strides = array<i32>} : memref<8192xf32, #tpu.memory_space<vmem>>, vector<16xf32>,
      %get3A_306 = vector.shape_cast %get3A_305 : vector<16xf32> to vector<16xf32>
      %sub3A_307 = arith.subf %get3A_306, %scan3A_248 : vector<16xf32>
      %max3A_308 = arith.constant 0.000000e+00 : f32
      %max3A_309 = vector.broadcast %max3A_308 : f32 to vector<16xf32>
      %max3A_310 = arith.maximumf %sub3A_307, %max3A_309 : vector<16xf32>
      %add3A_311 = arith.constant 48 : i32
      %add3A_312 = arith.addi %mul3A_258, %add3A_311 : i32
      %swap3A_313 = arith.index_cast %add3A_312 : i32 to index
      %swap3A_314 = tpu.vector_load %arg5[%swap3A_313] {strides = array<i32>} : memref<8192xf32, #tpu.memory_space<vmem>>, vector<16xf32>,
      %swap3A_315 = vector.shape_cast %swap3A_314 : vector<16xf32> to vector<16xf32>
      %swap3A_316 = vector.shape_cast %max3A_310 : vector<16xf32> to vector<16xf32>
      tpu.vector_store %arg5[%swap3A_313], %swap3A_316 {strides = array<i32>} : memref<8192xf32, #tpu.memory_space<vmem>>, vector<16xf32>,
    }
    %scan3A_255 = arith.constant 128 : i32
    "tpu.region"() ({
      %run_scoped3A = tpu.sem_alloc : memref<!tpu.dma_semaphore, #tpu.memory_space<semaphore_mem>>
      %dma_start3A = arith.constant 0 : i32
      %dma_start3A_256 = tpu.memref_slice %arg4[%add3A_130, %dma_start3A] : memref<64x8192xf32, #tpu.memory_space<hbm>> -> memref<1x8192xf32, #tpu.memory_space<hbm>>
      %dma_start3A_257 = tpu.memref_squeeze %dma_start3A_256 : memref<1x8192xf32, #tpu.memory_space<hbm>> -> memref<8192xf32, #tpu.memory_space<hbm>>
      %dma_start3A_258 = arith.constant 0 : i32
      %dma_start3A_259 = tpu.memref_slice %arg4[%add3A_130, %dma_start3A_258] : memref<64x8192xf32, #tpu.memory_space<hbm>> -> memref<1x8192xf32, #tpu.memory_space<hbm>>
      %dma_start3A_260 = tpu.memref_squeeze %dma_start3A_259 : memref<1x8192xf32, #tpu.memory_space<hbm>> -> memref<8192xf32, #tpu.memory_space<hbm>>
      tpu.enqueue_dma source(%arg5 : memref<8192xf32, #tpu.memory_space<vmem>>) target(%dma_start3A_260 : memref<8192xf32, #tpu.memory_space<hbm>>) target_semaphore(%run_scoped3A : memref<!tpu.dma_semaphore, #tpu.memory_space<semaphore_mem>>)
      %dma_wait3A = arith.constant 0 : i32
      %dma_wait3A_261 = tpu.memref_slice %arg4[%add3A_130, %dma_wait3A] : memref<64x8192xf32, #tpu.memory_space<hbm>> -> memref<1x8192xf32, #tpu.memory_space<hbm>>
      %dma_wait3A_262 = tpu.memref_squeeze %dma_wait3A_261 : memref<1x8192xf32, #tpu.memory_space<hbm>> -> memref<8192xf32, #tpu.memory_space<hbm>>
      %dma_wait3A_263 = arith.constant 0 : i32
      %dma_wait3A_264 = tpu.memref_slice %arg4[%add3A_130, %dma_wait3A_263] : memref<64x8192xf32, #tpu.memory_space<hbm>> -> memref<1x8192xf32, #tpu.memory_space<hbm>>
      %dma_wait3A_265 = tpu.memref_squeeze %dma_wait3A_264 : memref<1x8192xf32, #tpu.memory_space<hbm>> -> memref<8192xf32, #tpu.memory_space<hbm>>
      tpu.wait_dma2 semaphore(%run_scoped3A : memref<!tpu.dma_semaphore, #tpu.memory_space<semaphore_mem>>) src(%arg5 : memref<8192xf32, #tpu.memory_space<vmem>>) dst(%dma_wait3A_265 : memref<8192xf32, #tpu.memory_space<hbm>>)
      tpu.yield
    }) : () -> ()
    return
  }
}

</mosaic_0001>

<sc_bundles>
// kernel: _sc_sparsemax.3.cloned.1.call-start
scs
__scs_entry_jumppad:
0x0: {  	(pc) =	sbr.rel $0x88, $3  }
0x1: {  	(tag) =	ssettag $0x0;
	lr =	simm.s32 $0x1  }
0x2: {  	[smem:$0x3F9F] =	sst lr;
	_ =	strace $0xD0000000  }
0x3: {  	_ = 	snop  }
0x4: {  	_ = 	snop  }
0x5: {  	_ = 	snop  }
0x6: {  	_ = 	snop  }
0x7: {  	_ = 	snop  }
__scs_overlays_trampoline_lowered:
0x8: {  	[smem:$0x3FAE] =	sst s0  }
0x9: {  	[smem:$0x3FAF] =	sst s1  }
0xa: {  	[smem:$0x3FB0] =	sst s2  }
0xb: {  	[smem:$0x3FB1] =	sst s3  }
0xc: {  	[smem:$0x3FB2] =	sst s4  }
0xd: {  	[smem:$0x3FB3] =	sst s5  }
0xe: {  	[smem:$0x3FB4] =	sst s6  }
0xf: {  	[smem:$0x3FB5] =	sst s7  }
0x10: {  	[smem:$0x3FB6] =	sst s8  }
0x11: {  	[smem:$0x3FB7] =	sst s9;
	s0 =	simm.s32 @!p0 $0x0  }
0x12: {  	s1 =	sld [smem:$0x3F9D];
	s0 =	simm.s32 @p0 $0x1  }
0x13: {  	[smem:$0x3FB8] =	sst s0;
	s0 =	simm.s32 @!p1 $0x0  }
0x14: {  	s2 =	sld [smem:$0x3F9C];
	s0 =	simm.s32 @p1 $0x1  }
0x15: {  	[smem:$0x3FB9] =	sst s0;
	s0 =	simm.s32 @!p2 $0x0  }
0x16: {  	s3 =	sld [smem:$0x3FDB];
	s0 =	simm.s32 @p2 $0x1  }
0x17: {  	s4 =	simm.s32 $0x1BF5;
	[smem:$0x3FBB] =	sst s0  }
0x18: {  	s0 =	sld [smem:$0x3F9E];
	_ =	swait.ge [sflag:s4], $0x0  }
0x19: {  	s7 =	sld [smem:$0x3F9F]  }
0x1a: {  	s8 =	sadd.s32 $0xFFFFE003, lr  }
0x1b: {  	s9 =	sadd.s32 $0xFFFFFEF7, lr;
	s5 =	simm.s32 $0xFFFFFFFF;
	p2 =	slt.u32 s8, $0xFFFFF086  }
0x1c: {  	p1 =	slt.u32 s9, $0xF7A;
	s5 =	simm.s32 @!p2 $0x0  }
0x1d: {  	s5 =	simm.s32 @p1 $0x1;
	p0 =	seq.s32 s7, s2  }
0x1e: {  	s7 =	smul.u32 @!p0 $0xF7A, s2;
	p2 =	seq.s32 @!p0 s5, $0x0  }
0x1f: {  	s9 =	smul.u32 $0xF7A, s1;
	s8 =	simm.s32 @!p0 $0x1BF5;
	p2 =	por !p2, p0  }
0x20: {  	[sflag:s8] =	ssyncset.s32 @!p0 $0xFFFFF086;
	s6 =	sadd.s32 @!p0 s3, s7;
	s7 =	simm.s32 @!p0 $0x108  }
0x21: {  	s3 =	sadd.s32 s3, s9;
	s6 =	sadd.s32 @!p0 $0x88, s6;
	s7 =	simm.s32 @p2 $0x1082  }
0x22: {  	[simem:s7], [sflag:s8] =	dma.local @!p0 [hbm:s6], $0xF7A  }
0x23: {  	s9 =	sor.u32 $0xD0000000, s2;
	s6 =	simm.s32 $0x108;
	_ =	swait.ge @!p0 [sflag:s8], $0x0  }
0x24: {  	s3 =	sadd.s32 $0x88, s3;
	s6 =	simm.s32 @!p1 $0x1082;
	[sflag:s4] =	ssyncset.s32 $0xFFFFF086  }
0x25: {  	[simem:s6], [sflag:s4] =	dma.local [hbm:s3], $0xF7A  }
0x26: {  	[smem:$0x3F9F] =	sst s1;
	(tag) =	ssettag s2;
	_ =	strace s9  }
0x27: {  	s1 =	sld [smem:$0x3FAF]  }
0x28: {  	s2 =	sld [smem:$0x3FB0]  }
0x29: {  	s4 =	sld [smem:$0x3FB2]  }
0x2a: {  	p0 =	seq.s32 s5, $0x0;
	s5 =	sld [smem:$0x3FB3]  }
0x2b: {  	s6 =	sld [smem:$0x3FB4]  }
0x2c: {  	s7 =	sld [smem:$0x3FB5]  }
0x2d: {  	s3 =	simm.s32 $0x108;
	s8 =	sld [smem:$0x3FB6]  }
0x2e: {  	s3 =	simm.s32 @!p0 $0x1082;
	s9 =	sld [smem:$0x3FB7]  }
0x2f: {  	lr =	sadd.s32 s0, s3;
	s0 =	sld [smem:$0x3FAE]  }
0x30: {  	s3 =	sld [smem:$0x3FB1]  }
0x31: {  	[smem:$0x3FBA] =	sst s10  }
0x32: {  	s10 =	sld [smem:$0x3FB8];
	_ =	sdelay $0x3  }
0x33: {  	p0 =	seq.s32 s10, $0x1;
	s10 =	sld [smem:$0x3FBA];
	_ =	sdelay $0x3  }
0x34: {  	[smem:$0x3FBA] =	sst s10  }
0x35: {  	s10 =	sld [smem:$0x3FB9];
	_ =	sdelay $0x3  }
0x36: {  	p1 =	seq.s32 s10, $0x1;
	s10 =	sld [smem:$0x3FBA];
	_ =	sdelay $0x3  }
0x37: {  	[smem:$0x3FBA] =	sst s10  }
0x38: {  	s10 =	sld [smem:$0x3FBB]  }
0x39: {  	_ = 	snop;
	(pc) =	sbr.ind lr, $3  }
0x3a: {  	_ = 	snop  }
0x3b: {  	_ = 	snop  }
0x3c: {  	p2 =	seq.s32 s10, $0x1;
	s10 =	sld [smem:$0x3FBA]  }
0x3d: {  	_ =	shalt  }
0x3e: {  	_ =	shalt  }
0x3f: {  	_ =	shalt  }
0x40: {  	_ =	shalt  }
0x41: {  	_ =	shalt  }
0x42: {  	_ =	shalt  }
0x43: {  	_ =	shalt  }
0x44: {  	_ =	shalt  }
0x45: {  	_ =	shalt  }
0x46: {  	_ =	shalt  }
0x47: {  	_ =	shalt  }
0x48: {  	_ =	shalt  }
0x49: {  	_ =	shalt  }
0x4a: {  	_ =	shalt  }
0x4b: {  	_ =	shalt  }
0x4c: {  	_ =	shalt  }
0x4d: {  	_ =	shalt  }
0x4e: {  	_ =	shalt  }
0x4f: {  	_ =	shalt  }
0x50: {  	_ =	shalt  }
0x51: {  	_ =	shalt  }
0x52: {  	_ =	shalt  }
0x53: {  	_ =	shalt  }
0x54: {  	_ =	shalt  }
0x55: {  	_ =	shalt  }
0x56: {  	_ =	shalt  }
0x57: {  	_ =	shalt  }
0x58: {  	_ =	shalt  }
0x59: {  	_ =	shalt  }
0x5a: {  	_ =	shalt  }
0x5b: {  	_ =	shalt  }
0x5c: {  	_ =	shalt  }
0x5d: {  	_ =	shalt  }
0x5e: {  	_ =	shalt  }
0x5f: {  	_ =	shalt  }
0x60: {  	_ =	shalt  }
0x61: {  	_ =	shalt  }
0x62: {  	_ =	shalt  }
0x63: {  	_ =	shalt  }
0x64: {  	_ =	shalt  }
0x65: {  	_ =	shalt  }
0x66: {  	_ =	shalt  }
0x67: {  	_ =	shalt  }
0x68: {  	_ =	shalt  }
0x69: {  	_ =	shalt  }
0x6a: {  	_ =	shalt  }
0x6b: {  	_ =	shalt  }
0x6c: {  	_ =	shalt  }
0x6d: {  	_ =	shalt  }
0x6e: {  	_ =	shalt  }
0x6f: {  	_ =	shalt  }
0x70: {  	_ =	shalt  }
0x71: {  	_ =	shalt  }
0x72: {  	_ =	shalt  }
0x73: {  	_ =	shalt  }
0x74: {  	_ =	shalt  }
0x75: {  	_ =	shalt  }
0x76: {  	_ =	shalt  }
0x77: {  	_ =	shalt  }
0x78: {  	_ =	shalt  }
0x79: {  	_ =	shalt  }
0x7a: {  	_ =	shalt  }
0x7b: {  	_ =	shalt  }
0x7c: {  	_ =	shalt  }
0x7d: {  	_ =	shalt  }
0x7e: {  	_ =	shalt  }
0x7f: {  	_ =	shalt  }
0x80: {  	_ =	shalt  }
0x81: {  	_ =	shalt  }
0x82: {  	_ =	shalt  }
0x83: {  	_ =	shalt  }
0x84: {  	_ =	shalt  }
0x85: {  	_ =	shalt  }
0x86: {  	_ =	shalt  }
0x87: {  	_ =	shalt  }
.Lfunc_end0:
.L_simem_size_0:
called_computation_lowered:
.L_overlay_start_0:
0x88: {  	s2 =	sld [smem:$0x3FD9]  }
0x89: {  	s3 =	sld [smem:$0x3FFE];
	_ =	sdelay $0x1  }
0x8a: {  	s1 =	srdreg.scid  }
0x8b: {  	s0 =	sand.u32 $0x1, s1  }
0x8c: {  	s18 =	sshll.u32 s0, $0xA;
	s2 =	sadd.s32 s3, s2  }
0x8d: {  	s2 =	sadd.s32 s2, s18  }
0x8e: {  	[smem:$0x3FC6] =	sst s2  }
0x8f: {  	_ = 	snop  }
0x90: {  	s2 =	sld [smem:$0x3FC9]  }
0x91: {  	s19 =	sld [smem:$0x3FC8]  }
0x92: {  	s4 =	sld [smem:$0x3FD0];
	(tm) =	ssettm $0x1  }
0x93: {  	s5 =	sld [smem:$0x3FFB];
	_ =	sdelay $0x3  }
0x94: {  	_ =	strace s5  }
0x95: {  	s5 =	sld [smem:$0x3FFC];
	_ =	sdelay $0x3  }
0x96: {  	_ =	strace s5  }
0x97: {  	s5 =	sld [smem:$0x3FFD];
	_ =	sdelay $0x3  }
0x98: {  	_ =	strace s5  }
0x99: {  	_ =	strace $0x8FFFFFFF  }
0x9a: {  	s20 =	sld [smem:$0x3FDB];
	_ =	sdelay $0x1  }
0x9b: {  	s6 =	simm.s32 $_scs_section_size  }
0x9c: {  	s7 =	simm.s32 $_size__tile_overlayer_lowered;
	s8 =	simm.s32 $_tile_overlayer_lowered  }
0x9d: {  	s23 =	simm.s32 $0x1BFF;
	s22 =	sshll.u32 s8, $0x1;
	s5 =	sadd.s32 s6, s20  }
0x9e: {  	s9 =	simm.s32 $0x0;
	s21 =	sshll.u32 s7, $0x1;
	s7 =	sadd.s32 s22, s5  }
0x9f: {  	[timem:s9], [sflag:s23] =	dma.local [hbm:s7], s21  }
0xa0: {  	_ =	swait.ge [sflag:s23], s21  }
0xa1: {  	s6 =	ssub.s32 $0x0, s21;
	[sflag:s23] =	ssyncset.done $0x0  }
0xa2: {  	[sflag:s23] =	ssyncadd.s32 s6;
	_ =	sdelay $0x1  }
0xa3: {  	s24 =	simm.s32 $0x1B8B  }
0xa4: {  	_ =	swait.ge [sflag:s24], $0x1  }
0xa5: {  	[sflag:s24] =	ssyncset.done $0x0  }
0xa6: {  	s25 =	simm.s32 $0x1B8E;
	[sflag:s24] =	ssyncadd.s32 $0xFFFFFFFF  }
0xa7: {  	s26 =	simm.s32 $execute0_lowered;
	[smem:$0x3FD2] =	sst s25  }
0xa8: {  	s6 =	sshll.u32 s26, $0x1;
	_ =	strace $0x80000046;
	[dreg:$0x1] =	wrdreg $0xFFFFFFFF  }
0xa9: {  	s28 =	simm.s32 $_size_execute0_lowered;
	s5 =	sadd.s32 s5, s6;
	[dreg:$0x0] =	wrdreg $0x0  }
0xaa: {  	s6 =	sshll.u32 s28, $0x1;
	[dreg:$0x2] =	wrdreg s5  }
0xab: {  	[dreg:$0x3] =	wrdreg s6  }
0xac: {  	[dreg:$0x4] =	wrdreg $0xC0  }
0xad: {  	_ =	task [dreg:s9], $0x5FFFF  }
0xae: {  	[dreg:$0x1] =	wrdreg $0xFFFFFFFF  }
0xaf: {  	[dreg:$0x0] =	wrdreg $0x60  }
0xb0: {  	[dreg:$0x2] =	wrdreg s2  }
0xb1: {  	[dreg:$0x3] =	wrdreg s19  }
0xb2: {  	[dreg:$0x4] =	wrdreg s4  }
0xb3: {  	[dreg:$0x5] =	wrdreg $0x9  }
0xb4: {  	_ =	task.clear_ibuf [dreg:s9], $0x6FFFF;
	_ =	strace $0x90000046  }
0xb5: {  	s29 =	simm.s32 $0x9;
	_ =	strace $0x80000048  }
0xb6: {  	_ =	swait.ge [sflag:s29], $0x1  }
0xb7: {  	[sflag:s29] =	ssyncadd.s32 $0xFFFFFFFF  }
0xb8: {  	_ =	strace $0x90000048  }
0xb9: {  	_ =	sfence  }
0xba: {  	s30 =	sld [smem:$0x0];
	_ =	sdelay $0x2  }
0xbb: {  	s31 =	sshll.u32 s1, $0xD;
	s1 =	sshrl.u32 s1, $0x2  }
0xbc: {  	s3 =	sand.u32 $0x4000, s31;
	s1 =	sadd.s32 s1, s30  }
0xbd: {  	s0 =	sor.u32 s3, s0;
	s1 =	sshll.u32 s1, $0x11  }
0xbe: {  	s0 =	sor.u32 s1, s0  }
0xbf: {  	s0 =	sadd.s32 $0x8F2B, s0  }
0xc0: {  	[sflag:s0] =	ssyncadd.remote.s32 $0x1  }
0xc1: {  	_ =	sfence.sel $0xFFFF  }
0xc2: {  	[dreg:$0x0] =	wrdreg $0xFFFFFFFF;
	(pc) =	sbr.abs _section_cstart, $3  }
0xc3: {  	[dreg:$0x1] =	wrdreg $0xFFFFFFFF  }
0xc4: {  	_ =	task.clear_ibuf [dreg:s9], $0x2FFFF;
	_ =	strace $0x9FFFFFFF  }
0xc5: {  	(tm) =	ssettm $0x7FFFFFFF  }
tec
execute0_lowered:
.L_overlay_start_1:
0x0: {  	(tag) =	ssettag $0x1  }
0x1: {  	s6 =	rddreg [dreg:$0x0]  }
0x2: {  	s7 =	rddreg [dreg:$0x1]  }
0x3: {  	s8 =	rddreg [dreg:$0x2]  }
0x4: {  	s3 =	srdreg.scid;
	s0 =	stileid.u32  }
0x5: {  	s1 =	simm.s32 $0x0;
	s11 =	simm.s32 $0x400;
	s12 =	simm.s32 $0x1  }
0x6: {  	s13 =	simm.s32 $0x2000;
	s3 =	sand.u32 $0x1, s3;
	s4 =	sshll.u32 s0, $0x6  }
0x7: {  	s9 =	sshll.u32 s0, $0xC;
	s5 =	sshll.u32 s3, $0x5;
	s4 =	sand.u32 $0x40, s4  }
0x8: {  	s3 =	ssub.s32 $0x2, s3;
	s9 =	sand.u32 $0xE000, s9;
	s4 =	sor.u32 s5, s4  }
0x9: {  	s14 =	simm.s32 $0x0;
	s31 =	sshrl.u32 s3, $0x1;
	s9 =	sor.u32 s9, s4  }
0xa: {  	[smem:$0x7FF] =	sst s1;
	s10 =	ssub.s32 s3, s31;
	s3 =	sadd.s32 s6, s9  }
0xb: {  	s4 =	sadd.s32 s7, s9;
	s5 =	sadd.s32 s8, s9;
	s9 =	sor.u32 $0x10, s9  }
0xc: {  	_ =	strace $0x80000047;
	s6 =	sadd.s32 s6, s9;
	s7 =	sadd.s32 s7, s9  }
0xd: {  	v0 =	vimm.f32 $0.0e+00;
	s8 =	sadd.s32 s8, s9;
	s9 =	smax.u32 s10, $0x1;
	s10 =	simm.s32 $0x80  }
.LBB2_1:
0xe: {  	[tilespmem:s1], [sflag:$0x1] =	stream.strided.gather [hbm4b:s3+s10], $0x2000, s11, s10, $0x38;
	[tilespmem:$0x4000] =	vst v63  }
0xf: {  	_ =	swait.ge [sflag:s12], $0x2000  }
0x10: {  	[sflag:s12] =	ssyncset.done $0x0  }
0x11: {  	[sflag:s12] =	ssyncadd.s32 $0xFFFFE000  }
0x12: {  	[tilespmem:s13], [sflag:$0x1] =	stream.strided.gather [hbm4b:s4+s10], $0x2000, s11, s10, $0x38;
	[tilespmem:$0x4000] =	vst v63  }
0x13: {  	_ =	swait.ge [sflag:s12], $0x2000  }
0x14: {  	[sflag:s12] =	ssyncset.done $0x0  }
0x15: {  	s16 =	simm.s32 $0x0;
	[sflag:s12] =	ssyncadd.s32 $0xFFFFE000  }
0x16: {  	v2 =	vld [tilespmem:s16+$0x2000]  }
0x17: {  	v3 =	vld [tilespmem:s16+$0x2010]  }
0x18: {  	v4 =	vld [tilespmem:s16+$0x2020]  }
0x19: {  	v6 =	vld [tilespmem:s16+$0x2030]  }
0x1a: {  	v5 =	vld [tilespmem:s16+$0x0]  }
0x1b: {  	v7 =	vld [tilespmem:s16+$0x10]  }
0x1c: {  	v1 =	vimm.f32 $-1.000000020e+30;
	v14 =	vimm.f32 $0.0e+00;
	v15 =	vimm.f32 $0.0e+00;
	v8 =	vld [tilespmem:s16+$0x20]  }
0x1d: {  	v11 =	vld [tilespmem:s16+$0x30];
	vm0 =	vlt.f32 v2, $0.0e+00;
	vm1 =	vgt.f32 v2, $0.0e+00;
	vm2 =	vlt.f32 v3, $0.0e+00  }
0x1e: {  	s15 =	simm.s32 $0x40;
	vm3 =	vgt.f32 v3, $0.0e+00;
	vm9 =	vlt.f32 v4, $0.0e+00;
	vm11 =	vgt.f32 v4, $0.0e+00  }
0x1f: {  	v10 =	vld [tilespmem:s15+$0x2000];
	vm12 =	vlt.f32 v6, $0.0e+00;
	vm14 =	vgt.f32 v6, $0.0e+00;
	vm0 =	vmor vm1, vm0  }
0x20: {  	v12 =	vld [tilespmem:s15+$0x2010];
	v3 =	vimm.f32 $-1.000000020e+30;
	vm10 =	vmor vm3, vm2;
	v2 =	vnsel vm0, $0xF149F2CA, v5  }
0x21: {  	v9 =	vld [tilespmem:s15+$0x2020];
	vm13 =	vmor vm11, vm9;
	vm15 =	vmor vm14, vm12;
	v5 =	vnsel vm10, $0xF149F2CA, v7;
	[tilespmem:s16+$0x0] =	vst v2  }
0x22: {  	v4 =	vimm.f32 $-1.000000020e+30;
	v8 =	vnsel vm13, $0xF149F2CA, v8;
	v11 =	vnsel vm15, $0xF149F2CA, v11;
	v6 =	vld [tilespmem:s15+$0x2030];
	[tilespmem:s16+$0x10] =	vst v5  }
0x23: {  	s17 =	simm.s32 $0x200;
	v7 =	vadd.f32 v2, v0;
	v2 =	vmax.f32 v1, v2;
	v13 =	vadd.f32 v5, v0;
	v16 =	vld [tilespmem:s15+$0x0];
	[tilespmem:s16+$0x20] =	vst v8  }
.LBB2_2:
0x24: {  	p0 =	sne.s32 s17, $0x7F00;
	v17 =	vld [tilespmem:s15+$0x10];
	v1 =	vmax.f32 v1, v5;
	v14 =	vadd.f32 v8, v14;
	v3 =	vmax.f32 v3, v8;
	[tilespmem:s16+$0x30] =	vst v11;
	s16 =	smov.u32 s15  }
0x25: {  	vm0 =	vlt.f32 v10, $0.0e+00;
	v15 =	vadd.f32 v11, v15;
	v4 =	vmax.f32 v4, v11;
	v8 =	vld [tilespmem:s16+$0x20]  }
0x26: {  	s15 =	sshra.s32 s17, $0x2;
	vm1 =	vgt.f32 v10, $0.0e+00;
	vm2 =	vlt.f32 v12, $0.0e+00;
	vm3 =	vgt.f32 v12, $0.0e+00;
	v11 =	vld [tilespmem:s16+$0x30]  }
.Ltmp0:
0x27: {  	vm0 =	vmor vm1, vm0;
	vm1 =	vlt.f32 v9, $0.0e+00;
	vm4 =	vgt.f32 v9, $0.0e+00;
	v10 =	vld [tilespmem:s15+$0x2000];
	(pc) =	sbr.rel @p0 .LBB2_2-.Ltmp0, $4  }
0x28: {  	v12 =	vld [tilespmem:s15+$0x2010];
	v18 =	vnsel vm0, $0xF149F2CA, v16;
	vm0 =	vmor vm3, vm2;
	vm2 =	vlt.f32 v6, $0.0e+00  }
0x29: {  	v9 =	vld [tilespmem:s15+$0x2020];
	[tilespmem:s16+$0x0] =	vst v18;
	v5 =	vnsel vm0, $0xF149F2CA, v17;
	vm0 =	vmor vm4, vm1;
	vm1 =	vgt.f32 v6, $0.0e+00  }
0x2a: {  	v7 =	vadd.f32 v18, v7;
	v6 =	vld [tilespmem:s15+$0x2030];
	[tilespmem:s16+$0x10] =	vst v5;
	v8 =	vnsel vm0, $0xF149F2CA, v8;
	vm0 =	vmor vm1, vm2  }
0x2b: {  	s17 =	sadd.s32 $0x100, s17;
	v2 =	vmax.f32 v2, v18;
	v13 =	vadd.f32 v5, v13;
	v16 =	vld [tilespmem:s15+$0x0];
	[tilespmem:s16+$0x20] =	vst v8;
	v11 =	vnsel vm0, $0xF149F2CA, v11  }
0x2c: {  	v17 =	vld [tilespmem:s15+$0x10]  }
0x2d: {  	[tilespmem:s16+$0x30] =	vst v11  }
0x2e: {  	vm0 =	vlt.f32 v10, $0.0e+00;
	vm1 =	vgt.f32 v10, $0.0e+00;
	v57 =	vadd.f32 v8, v14;
	v56 =	vld [tilespmem:s15+$0x20]  }
0x2f: {  	vm0 =	vmor vm1, vm0;
	vm10 =	vlt.f32 v12, $0.0e+00;
	vm11 =	vgt.f32 v12, $0.0e+00  }
0x30: {  	v58 =	vadd.f32 v11, v15;
	v59 =	vld [tilespmem:s15+$0x30];
	v16 =	vnsel vm0, $0xF149F2CA, v16;
	vm0 =	vmor vm11, vm10  }
0x31: {  	vm12 =	vlt.f32 v9, $0.0e+00;
	vm13 =	vgt.f32 v9, $0.0e+00;
	v17 =	vnsel vm0, $0xF149F2CA, v17  }
0x32: {  	vm0 =	vmor vm13, vm12;
	v7 =	vadd.f32 v16, v7;
	v60 =	vadd.f32 v17, v13  }
0x33: {  	vm14 =	vlt.f32 v6, $0.0e+00;
	vm2 =	vgt.f32 v6, $0.0e+00;
	v61 =	vnsel vm0, $0xF149F2CA, v56  }
0x34: {  	vm15 =	vmor vm2, vm14;
	v10 =	vadd.f32 v61, v57;
	v7 =	vadd.f32 v60, v7  }
0x35: {  	v62 =	vnsel vm15, $0xF149F2CA, v59  }
0x36: {  	v63 =	vadd.f32 v62, v58;
	v7 =	vadd.f32 v10, v7;
	_ =	sdelay $0x1  }
0x37: {  	v7 =	vadd.f32 v63, v7;
	_ =	sdelay $0x1  }
0x38: {  	(v2sf) =	vpush v7, $0x0  }
0x39: {  	(v2sf) =	vpush v7, $0x1  }
0x3a: {  	(v2sf) =	vpush v7, $0x2  }
0x3b: {  	(v2sf) =	vpush v7, $0x3  }
0x3c: {  	(v2sf) =	vpush v7, $0x4  }
0x3d: {  	(v2sf) =	vpush v7, $0x5  }
0x3e: {  	(v2sf) =	vpush v7, $0x6  }
0x3f: {  	(v2sf) =	vpush v7, $0x7;
	_ =	sdelay $0x3  }
0x40: {  	(v2sf) =	vpush v7, $0x8;
	_ =	sdelay $0x2  }
0x41: {  	(v2sf) =	vpush v7, $0x9  }
0x42: {  	s1 =	spop (v2sf)  }
0x43: {  	s17 =	spop (v2sf)  }
0x44: {  	v1 =	vmax.f32 v1, v5;
	(v2sf) =	vpush v7, $0xA;
	s16 =	sadd.f32 s17, s1;
	s2 =	spop (v2sf)  }
0x45: {  	v3 =	vmax.f32 v3, v8;
	v4 =	vmax.f32 v4, v11;
	(v2sf) =	vpush v7, $0xB;
	s18 =	spop (v2sf)  }
0x46: {  	v2 =	vmax.f32 v2, v16;
	v1 =	vmax.f32 v1, v17;
	(v2sf) =	vpush v7, $0xC;
	s16 =	sadd.f32 s16, s2;
	s19 =	spop (v2sf)  }
0x47: {  	v3 =	vmax.f32 v3, v61;
	v4 =	vmax.f32 v4, v62;
	(v2sf) =	vpush v7, $0xD;
	s20 =	spop (v2sf)  }
0x48: {  	v1 =	vmax.f32 v2, v1;
	v2 =	vmax.f32 v3, v4;
	s16 =	sadd.f32 s16, s18;
	s21 =	spop (v2sf);
	(v2sf) =	vpush v7, $0xE  }
0x49: {  	v1 =	vmax.f32 v1, v2;
	s22 =	spop (v2sf);
	(v2sf) =	vpush v7, $0xF  }
0x4a: {  	s16 =	sadd.f32 s16, s19;
	(v2sf) =	vpush v1, $0x0  }
0x4b: {  	(v2sf) =	vpush v1, $0x1  }
0x4c: {  	s16 =	sadd.f32 s16, s20  }
0x4d: {  	s23 =	spop (v2sf);
	(v2sf) =	vpush v1, $0x2  }
0x4e: {  	(v2sf) =	vpush v1, $0x3;
	s16 =	sadd.f32 s16, s21;
	_ =	sdelay $0x1  }
0x4f: {  	s24 =	spop (v2sf);
	(v2sf) =	vpush v1, $0x4;
	s16 =	sadd.f32 s16, s22  }
0x50: {  	(v2sf) =	vpush v1, $0x5  }
0x51: {  	s16 =	sadd.f32 s16, s23  }
0x52: {  	s25 =	spop (v2sf);
	(v2sf) =	vpush v1, $0x6  }
0x53: {  	s26 =	spop (v2sf);
	(v2sf) =	vpush v1, $0x7;
	s16 =	sadd.f32 s16, s24  }
0x54: {  	s28 =	spop (v2sf);
	(v2sf) =	vpush v1, $0x8  }
0x55: {  	s29 =	spop (v2sf);
	s16 =	sadd.f32 s16, s25  }
0x56: {  	(v2sf) =	vpush v1, $0x9;
	s30 =	spop (v2sf)  }
0x57: {  	(v2sf) =	vpush v1, $0xA;
	s16 =	sadd.f32 s16, s26;
	s31 =	spop (v2sf)  }
0x58: {  	s18 =	spop (v2sf)  }
0x59: {  	(v2sf) =	vpush v1, $0xB;
	s16 =	sadd.f32 s16, s28;
	s0 =	spop (v2sf)  }
0x5a: {  	(v2sf) =	vpush v1, $0xC;
	s17 =	smax.f32 s18, s0  }
0x5b: {  	(v2sf) =	vpush v1, $0xD;
	s1 =	spop (v2sf);
	s16 =	sadd.f32 s16, s29  }
0x5c: {  	(v2sf) =	vpush v1, $0xE;
	s17 =	smax.f32 s17, s1;
	s2 =	spop (v2sf)  }
0x5d: {  	(v2sf) =	vpush v1, $0xF;
	s17 =	smax.f32 s17, s2  }
0x5e: {  	s19 =	spop (v2sf);
	s16 =	sadd.f32 s16, s30  }
0x5f: {  	s17 =	smax.f32 s17, s19;
	s20 =	spop (v2sf)  }
0x60: {  	s17 =	smax.f32 s17, s20  }
0x61: {  	s21 =	spop (v2sf);
	s16 =	sadd.f32 s16, s31  }
0x62: {  	s17 =	smax.f32 s17, s21;
	s22 =	spop (v2sf)  }
0x63: {  	s17 =	smax.f32 s17, s22;
	s23 =	spop (v2sf)  }
0x64: {  	s17 =	smax.f32 s17, s23  }
0x65: {  	s24 =	spop (v2sf);
	s16 =	sadd.f32 $-1.000000000e+00, s16  }
0x66: {  	s17 =	smax.f32 s17, s24;
	s25 =	spop (v2sf)  }
0x67: {  	s17 =	smax.f32 s17, s25  }
0x68: {  	s26 =	spop (v2sf);
	s16 =	smul.f32 $1.220703130e-04, s16  }
0x69: {  	s17 =	smax.f32 s17, s26;
	s28 =	spop (v2sf)  }
0x6a: {  	s17 =	smax.f32 s17, s28;
	s29 =	spop (v2sf)  }
0x6b: {  	s17 =	smax.f32 s17, s29;
	s30 =	spop (v2sf)  }
0x6c: {  	s17 =	smax.f32 s17, s30;
	s31 =	spop (v2sf)  }
0x6d: {  	[tilespmem:s15+$0x0] =	vst v16;
	v1 =	vmov s16;
	s17 =	smax.f32 s17, s31  }
0x6e: {  	[tilespmem:s15+$0x10] =	vst v17;
	v2 =	vmin.f32 v1, s17  }
0x6f: {  	[tilespmem:s15+$0x20] =	vst v61;
	v2 =	vbroadcast v2, $0x0  }
0x70: {  	[tilespmem:s15+$0x30] =	vst v62;
	s15 =	simm.s32 $0x0;
	v1 =	vmov s17  }
.LBB2_4:
0x71: {  	s16 =	simm.s32 $0x0  }
0x72: {  	v3 =	vld [tilespmem:s16+$0x30]  }
0x73: {  	v4 =	vld [tilespmem:s16+$0x20]  }
0x74: {  	v5 =	vld [tilespmem:s16+$0x0]  }
0x75: {  	v10 =	vld [tilespmem:s16+$0x10];
	_ =	sdelay $0x1  }
0x76: {  	v8 =	vimm.f32 $0.0e+00;
	s17 =	simm.s32 $0x40;
	vm0 =	vge.f32 v3, v2  }
0x77: {  	v13 =	vld [tilespmem:s17+$0x10];
	vm1 =	vge.f32 v4, v2;
	v3 =	vnsel vm0, $0x0, v3;
	v7 =	vsel vm0, $0x3F800000, v0  }
0x78: {  	vm14 =	vge.f32 v5, v2;
	v6 =	vadd.f32 v3, v8;
	v3 =	vadd.f32 v7, v8;
	v7 =	vld [tilespmem:s17+$0x30]  }
0x79: {  	v11 =	vld [tilespmem:s17+$0x20];
	vm15 =	vge.f32 v10, v2;
	v4 =	vnsel vm1, $0x0, v4;
	v5 =	vnsel vm14, $0x0, v5  }
0x7a: {  	v14 =	vsel vm14, $0x3F800000, v0;
	v16 =	vnsel vm15, $0x0, v10;
	v9 =	vadd.f32 v4, v8  }
0x7b: {  	v4 =	vsel vm1, $0x3F800000, v0;
	v12 =	vadd.f32 v5, v8;
	v5 =	vadd.f32 v14, v8;
	v14 =	vld [tilespmem:s17+$0x0]  }
0x7c: {  	s16 =	simm.s32 $0x200;
	v15 =	vsel vm15, $0x3F800000, v0;
	v10 =	vimm.f32 $0.0e+00;
	v4 =	vadd.f32 v4, v8  }
.LBB2_5:
0x7d: {  	s17 =	sshra.s32 s16, $0x2;
	p0 =	sne.s32 s16, $0x7F00;
	s16 =	sadd.s32 $0x100, s16;
	vm0 =	vge.f32 v7, v2;
	v8 =	vadd.f32 v16, v8;
	v10 =	vadd.f32 v15, v10;
	v15 =	vmovc v13  }
0x7e: {  	vm1 =	vge.f32 v11, v2;
	v16 =	vnsel vm0, $0x0, v7;
	v7 =	vld [tilespmem:s17+$0x30];
	v17 =	vsel vm0, $0x3F800000, v0  }
.Ltmp1:
0x7f: {  	v13 =	vld [tilespmem:s17+$0x10];
	v18 =	vnsel vm1, $0x0, v11;
	v6 =	vadd.f32 v16, v6;
	v3 =	vadd.f32 v17, v3;
	(pc) =	sbr.rel @p0 .LBB2_5-.Ltmp1, $4  }
0x80: {  	vm0 =	vge.f32 v14, v2;
	v16 =	vsel vm1, $0x3F800000, v0;
	v11 =	vld [tilespmem:s17+$0x20];
	v9 =	vadd.f32 v18, v9  }
0x81: {  	v17 =	vnsel vm0, $0x0, v14;
	v18 =	vsel vm0, $0x3F800000, v0;
	v4 =	vadd.f32 v16, v4;
	v14 =	vld [tilespmem:s17+$0x0]  }
0x82: {  	vm0 =	vge.f32 v15, v2;
	v12 =	vadd.f32 v17, v12;
	v5 =	vadd.f32 v18, v5  }
0x83: {  	v16 =	vnsel vm0, $0x0, v15;
	v15 =	vsel vm0, $0x3F800000, v0  }
0x84: {  	_ =	sdelay $0x1  }
0x85: {  	v8 =	vadd.f32 v16, v8;
	vm1 =	vge.f32 v13, v2;
	vm0 =	vge.f32 v14, v2  }
0x86: {  	v13 =	vnsel vm1, $0x0, v13;
	v14 =	vnsel vm0, $0x0, v14  }
0x87: {  	vm2 =	vge.f32 v11, v2;
	v8 =	vadd.f32 v13, v8;
	v12 =	vadd.f32 v14, v12  }
0x88: {  	v11 =	vnsel vm2, $0x0, v11  }
0x89: {  	vm3 =	vge.f32 v7, v2;
	v2 =	vadd.f32 v11, v9;
	v8 =	vadd.f32 v8, v12  }
0x8a: {  	v7 =	vnsel vm3, $0x0, v7  }
0x8b: {  	v6 =	vadd.f32 v7, v6;
	v2 =	vadd.f32 v2, v8;
	_ =	sdelay $0x1  }
0x8c: {  	v2 =	vadd.f32 v6, v2;
	_ =	sdelay $0x1  }
0x8d: {  	(v2sf) =	vpush v2, $0x0  }
0x8e: {  	(v2sf) =	vpush v2, $0x1  }
0x8f: {  	(v2sf) =	vpush v2, $0x2  }
0x90: {  	(v2sf) =	vpush v2, $0x3  }
0x91: {  	(v2sf) =	vpush v2, $0x4  }
0x92: {  	v60 =	vadd.f32 v15, v10;
	(v2sf) =	vpush v2, $0x5  }
0x93: {  	v61 =	vsel vm1, $0x3F800000, v0;
	(v2sf) =	vpush v2, $0x6  }
0x94: {  	v7 =	vadd.f32 v61, v60;
	v59 =	vsel vm0, $0x3F800000, v0;
	(v2sf) =	vpush v2, $0x7  }
0x95: {  	v62 =	vsel vm2, $0x3F800000, v0;
	v5 =	vadd.f32 v59, v5;
	(v2sf) =	vpush v2, $0x8  }
0x96: {  	v4 =	vadd.f32 v62, v4;
	(v2sf) =	vpush v2, $0x9  }
0x97: {  	v63 =	vsel vm3, $0x3F800000, v0;
	v5 =	vadd.f32 v7, v5;
	(v2sf) =	vpush v2, $0xA  }
0x98: {  	v3 =	vadd.f32 v63, v3;
	(v2sf) =	vpush v2, $0xB  }
0x99: {  	v4 =	vadd.f32 v4, v5;
	(v2sf) =	vpush v2, $0xC  }
0x9a: {  	(v2sf) =	vpush v2, $0xD  }
0x9b: {  	v3 =	vadd.f32 v3, v4;
	(v2sf) =	vpush v2, $0xE  }
0x9c: {  	s16 =	spop (v2sf);
	(v2sf) =	vpush v2, $0xF  }
0x9d: {  	s17 =	spop (v2sf);
	(v2sf) =	vpush v3, $0x0  }
0x9e: {  	s18 =	spop (v2sf);
	(v2sf) =	vpush v3, $0x1  }
0x9f: {  	s19 =	spop (v2sf)  }
0xa0: {  	(v2sf) =	vpush v3, $0x2;
	s20 =	spop (v2sf)  }
0xa1: {  	s21 =	spop (v2sf)  }
0xa2: {  	(v2sf) =	vpush v3, $0x3;
	s22 =	spop (v2sf)  }
0xa3: {  	s23 =	spop (v2sf)  }
0xa4: {  	(v2sf) =	vpush v3, $0x4;
	s24 =	spop (v2sf)  }
0xa5: {  	s25 =	spop (v2sf)  }
0xa6: {  	(v2sf) =	vpush v3, $0x5;
	s26 =	spop (v2sf)  }
0xa7: {  	s28 =	spop (v2sf)  }
0xa8: {  	(v2sf) =	vpush v3, $0x6;
	s29 =	spop (v2sf)  }
0xa9: {  	s30 =	spop (v2sf)  }
0xaa: {  	(v2sf) =	vpush v3, $0x7;
	s31 =	spop (v2sf)  }
0xab: {  	s0 =	spop (v2sf)  }
0xac: {  	(v2sf) =	vpush v3, $0x8;
	s1 =	spop (v2sf)  }
0xad: {  	s2 =	spop (v2sf)  }
0xae: {  	(v2sf) =	vpush v3, $0x9;
	s1 =	sadd.f32 s2, s1  }
0xaf: {  	s2 =	spop (v2sf)  }
0xb0: {  	(v2sf) =	vpush v3, $0xA;
	s1 =	sadd.f32 s1, s2  }
0xb1: {  	s2 =	spop (v2sf)  }
0xb2: {  	(v2sf) =	vpush v3, $0xB;
	s1 =	sadd.f32 s1, s2  }
0xb3: {  	s2 =	spop (v2sf)  }
0xb4: {  	(v2sf) =	vpush v3, $0xC;
	s1 =	sadd.f32 s1, s2  }
0xb5: {  	s2 =	spop (v2sf)  }
0xb6: {  	(v2sf) =	vpush v3, $0xD;
	s1 =	sadd.f32 s1, s2  }
0xb7: {  	s2 =	sadd.f32 s17, s16;
	s17 =	spop (v2sf)  }
0xb8: {  	(v2sf) =	vpush v3, $0xE;
	s1 =	sadd.f32 s1, s17  }
0xb9: {  	s2 =	sadd.f32 s2, s18;
	s18 =	spop (v2sf)  }
0xba: {  	(v2sf) =	vpush v3, $0xF;
	s1 =	sadd.f32 s1, s18  }
0xbb: {  	s2 =	sadd.f32 s2, s19;
	s19 =	spop (v2sf)  }
0xbc: {  	s1 =	sadd.f32 s1, s19  }
0xbd: {  	s2 =	sadd.f32 s2, s20;
	s20 =	spop (v2sf)  }
0xbe: {  	s1 =	sadd.f32 s1, s20  }
0xbf: {  	s2 =	sadd.f32 s2, s21;
	s21 =	spop (v2sf)  }
0xc0: {  	s1 =	sadd.f32 s1, s21  }
0xc1: {  	s2 =	sadd.f32 s2, s22;
	s22 =	spop (v2sf)  }
0xc2: {  	s1 =	sadd.f32 s1, s22  }
0xc3: {  	s2 =	sadd.f32 s2, s23;
	s23 =	spop (v2sf)  }
0xc4: {  	s1 =	sadd.f32 s1, s23  }
0xc5: {  	s2 =	sadd.f32 s2, s24;
	s24 =	spop (v2sf)  }
0xc6: {  	s1 =	sadd.f32 s1, s24  }
0xc7: {  	s2 =	sadd.f32 s2, s25;
	s25 =	spop (v2sf)  }
0xc8: {  	s1 =	sadd.f32 s1, s25  }
0xc9: {  	s2 =	sadd.f32 s2, s26;
	s26 =	spop (v2sf)  }
0xca: {  	s1 =	sadd.f32 s1, s26;
	_ =	sdelay $0x1  }
0xcb: {  	s2 =	sadd.f32 s2, s28;
	s1 =	smax.f32 s1, $1.000000000e+00  }
0xcc: {  	v2 =	vmov s1  }
0xcd: {  	s29 =	sadd.f32 s2, s29;
	(erf) = vrcp.f32 v2;
	_ =	sdelay $0x1  }
0xce: {  	s1 =	sadd.f32 s29, s30;
	_ =	sdelay $0x1  }
0xcf: {  	s1 =	sadd.f32 s1, s31;
	_ =	sdelay $0x1  }
0xd0: {  	s15 =	sadd.s32 $0x1, s15;
	s0 =	sadd.f32 s1, s0  }
0xd1: {  	p0 =	sne.s32 s15, $0x10  }
.Ltmp2:
0xd2: {  	s0 =	sadd.f32 $-1.000000000e+00, s0;
	(pc) =	sbr.rel @p0 .LBB2_4-.Ltmp2, $3  }
0xd3: {  	v2 =	vpop (erf)  }
0xd4: {  	v2 =	vmul.f32 s0, v2;
	_ =	sdelay $0x1  }
0xd5: {  	v2 =	vmin.f32 v2, v1  }
0xd6: {  	s15 =	simm.s32 $0x0  }
0xd7: {  	v1 =	vld [tilespmem:s15+$0x0]  }
0xd8: {  	v3 =	vld [tilespmem:s15+$0x10]  }
0xd9: {  	s16 =	simm.s32 $0x100;
	v4 =	vld [tilespmem:s15+$0x20]  }
.LBB2_8:
0xda: {  	p0 =	sne.s32 s16, $0x7F00;
	v5 =	vld [tilespmem:s15+$0x30];
	_ =	sdelay $0x1  }
0xdb: {  	v1 =	vsub.f32 v1, v2  }
0xdc: {  	v3 =	vsub.f32 v3, v2  }
.Ltmp3:
0xdd: {  	v1 =	vmax.f32 v1, $0.0e+00;
	v4 =	vsub.f32 v4, v2;
	(pc) =	sbr.rel @p0 .LBB2_8-.Ltmp3, $4  }
0xde: {  	s0 =	sshra.s32 s16, $0x2;
	[tilespmem:s15+$0x0] =	vst v1;
	v3 =	vmax.f32 v3, $0.0e+00;
	v5 =	vsub.f32 v5, v2  }
0xdf: {  	v1 =	vld [tilespmem:s0+$0x0];
	[tilespmem:s15+$0x10] =	vst v3;
	v4 =	vmax.f32 v4, $0.0e+00  }
0xe0: {  	v3 =	vld [tilespmem:s0+$0x10];
	[tilespmem:s15+$0x20] =	vst v4;
	v5 =	vmax.f32 v5, $0.0e+00  }
0xe1: {  	s16 =	sadd.s32 $0x100, s16;
	v4 =	vld [tilespmem:s0+$0x20];
	[tilespmem:s15+$0x30] =	vst v5;
	s15 =	smov.u32 s0  }
0xe2: {  	v5 =	vld [tilespmem:s15+$0x30];
	_ =	sdelay $0x1  }
0xe3: {  	v1 =	vsub.f32 v1, v2  }
0xe4: {  	v3 =	vsub.f32 v3, v2  }
0xe5: {  	v1 =	vmax.f32 v1, $0.0e+00;
	v4 =	vsub.f32 v4, v2  }
0xe6: {  	[tilespmem:s15+$0x0] =	vst v1;
	v1 =	vmax.f32 v3, $0.0e+00;
	v2 =	vsub.f32 v5, v2  }
0xe7: {  	[tilespmem:s15+$0x10] =	vst v1;
	v1 =	vmax.f32 v4, $0.0e+00  }
0xe8: {  	[tilespmem:s15+$0x20] =	vst v1;
	v1 =	vmax.f32 v2, $0.0e+00  }
0xe9: {  	s0 =	simm.s32 $0x0;
	[tilespmem:s15+$0x30] =	vst v1  }
0xea: {  	[hbm4b:s5+s10] =	stream.strided.scatter [tilespmem:s0], [sflag:$0x1], $0x2000, s11, s10, $0x38;
	[tilespmem:$0x4000] =	vst v63  }
0xeb: {  	_ =	swait.ge [sflag:s12], $0x2000  }
0xec: {  	[sflag:s12] =	ssyncset.done $0x0  }
0xed: {  	[sflag:s12] =	ssyncadd.s32 $0xFFFFE000  }
0xee: {  	[tilespmem:s0], [sflag:$0x1] =	stream.strided.gather [hbm4b:s6+s10], $0x2000, s11, s10, $0x38;
	[tilespmem:$0x4000] =	vst v63  }
0xef: {  	_ =	swait.ge [sflag:s12], $0x2000  }
0xf0: {  	[sflag:s12] =	ssyncset.done $0x0  }
0xf1: {  	[sflag:s12] =	ssyncadd.s32 $0xFFFFE000  }
0xf2: {  	[tilespmem:s13], [sflag:$0x1] =	stream.strided.gather [hbm4b:s7+s10], $0x2000, s11, s10, $0x38;
	[tilespmem:$0x4000] =	vst v63  }
0xf3: {  	_ =	swait.ge [sflag:s12], $0x2000  }
0xf4: {  	[sflag:s12] =	ssyncset.done $0x0  }
0xf5: {  	s16 =	simm.s32 $0x0;
	[sflag:s12] =	ssyncadd.s32 $0xFFFFE000  }
0xf6: {  	v1 =	vld [tilespmem:s16+$0x2000]  }
0xf7: {  	v2 =	vld [tilespmem:s16+$0x2010]  }
0xf8: {  	v3 =	vld [tilespmem:s16+$0x2020]  }
0xf9: {  	v4 =	vld [tilespmem:s16+$0x2030]  }
0xfa: {  	v6 =	vld [tilespmem:s16+$0x0]  }
0xfb: {  	v7 =	vld [tilespmem:s16+$0x10]  }
0xfc: {  	v15 =	vimm.f32 $0.0e+00;
	v5 =	vimm.f32 $0.0e+00;
	v10 =	vld [tilespmem:s16+$0x20];
	vm0 =	vlt.f32 v1, $0.0e+00  }
0xfd: {  	v13 =	vld [tilespmem:s16+$0x30];
	vm1 =	vgt.f32 v1, $0.0e+00;
	v1 =	vimm.f32 $-1.000000020e+30;
	vm2 =	vlt.f32 v2, $0.0e+00  }
0xfe: {  	s15 =	simm.s32 $0x40;
	vm11 =	vgt.f32 v2, $0.0e+00;
	vm3 =	vlt.f32 v3, $0.0e+00;
	vm12 =	vgt.f32 v3, $0.0e+00  }
0xff: {  	v11 =	vld [tilespmem:s15+$0x2000];
	vm13 =	vlt.f32 v4, $0.0e+00;
	vm14 =	vgt.f32 v4, $0.0e+00;
	vm0 =	vmor vm1, vm0  }
0x100: {  	v12 =	vld [tilespmem:s15+$0x2010];
	v3 =	vimm.f32 $-1.000000020e+30;
	vm1 =	vmor vm11, vm2;
	v2 =	vnsel vm0, $0xF149F2CA, v6  }
0x101: {  	v8 =	vld [tilespmem:s15+$0x2020];
	vm15 =	vmor vm14, vm13;
	v6 =	vnsel vm1, $0xF149F2CA, v7;
	vm0 =	vmor vm12, vm3;
	[tilespmem:s16+$0x0] =	vst v2  }
0x102: {  	v4 =	vimm.f32 $-1.000000020e+30;
	v13 =	vnsel vm15, $0xF149F2CA, v13;
	v10 =	vnsel vm0, $0xF149F2CA, v10;
	v7 =	vld [tilespmem:s15+$0x2030];
	[tilespmem:s16+$0x10] =	vst v6  }
0x103: {  	s17 =	simm.s32 $0x200;
	v9 =	vadd.f32 v2, v5;
	v2 =	vmax.f32 v1, v2;
	v14 =	vadd.f32 v6, v5;
	v16 =	vld [tilespmem:s15+$0x0];
	[tilespmem:s16+$0x20] =	vst v10  }
.LBB2_10:
0x104: {  	p0 =	sne.s32 s17, $0x7F00;
	v17 =	vld [tilespmem:s15+$0x10];
	v1 =	vmax.f32 v1, v6;
	v5 =	vadd.f32 v10, v5;
	v3 =	vmax.f32 v3, v10;
	[tilespmem:s16+$0x30] =	vst v13;
	s16 =	smov.u32 s15  }
0x105: {  	vm0 =	vlt.f32 v11, $0.0e+00;
	v15 =	vadd.f32 v13, v15;
	v4 =	vmax.f32 v4, v13;
	v10 =	vld [tilespmem:s16+$0x20]  }
0x106: {  	s15 =	sshra.s32 s17, $0x2;
	vm1 =	vgt.f32 v11, $0.0e+00;
	vm2 =	vlt.f32 v12, $0.0e+00;
	vm3 =	vgt.f32 v12, $0.0e+00;
	v13 =	vld [tilespmem:s16+$0x30]  }
.Ltmp4:
0x107: {  	vm0 =	vmor vm1, vm0;
	vm1 =	vlt.f32 v8, $0.0e+00;
	vm4 =	vgt.f32 v8, $0.0e+00;
	v11 =	vld [tilespmem:s15+$0x2000];
	(pc) =	sbr.rel @p0 .LBB2_10-.Ltmp4, $4  }
0x108: {  	v12 =	vld [tilespmem:s15+$0x2010];
	v18 =	vnsel vm0, $0xF149F2CA, v16;
	vm0 =	vmor vm3, vm2;
	vm2 =	vlt.f32 v7, $0.0e+00  }
0x109: {  	v8 =	vld [tilespmem:s15+$0x2020];
	[tilespmem:s16+$0x0] =	vst v18;
	v6 =	vnsel vm0, $0xF149F2CA, v17;
	vm0 =	vmor vm4, vm1;
	vm1 =	vgt.f32 v7, $0.0e+00  }
0x10a: {  	v9 =	vadd.f32 v18, v9;
	v7 =	vld [tilespmem:s15+$0x2030];
	[tilespmem:s16+$0x10] =	vst v6;
	v10 =	vnsel vm0, $0xF149F2CA, v10;
	vm0 =	vmor vm1, vm2  }
0x10b: {  	s17 =	sadd.s32 $0x100, s17;
	v2 =	vmax.f32 v2, v18;
	v14 =	vadd.f32 v6, v14;
	v16 =	vld [tilespmem:s15+$0x0];
	[tilespmem:s16+$0x20] =	vst v10;
	v13 =	vnsel vm0, $0xF149F2CA, v13  }
0x10c: {  	v17 =	vld [tilespmem:s15+$0x10]  }
0x10d: {  	[tilespmem:s16+$0x30] =	vst v13  }
0x10e: {  	vm0 =	vlt.f32 v11, $0.0e+00;
	vm1 =	vgt.f32 v11, $0.0e+00;
	v5 =	vadd.f32 v10, v5;
	v56 =	vld [tilespmem:s15+$0x20]  }
0x10f: {  	vm0 =	vmor vm1, vm0;
	vm10 =	vlt.f32 v12, $0.0e+00;
	vm11 =	vgt.f32 v12, $0.0e+00  }
0x110: {  	v57 =	vadd.f32 v13, v15;
	v58 =	vld [tilespmem:s15+$0x30];
	v16 =	vnsel vm0, $0xF149F2CA, v16;
	vm0 =	vmor vm11, vm10  }
0x111: {  	vm12 =	vlt.f32 v8, $0.0e+00;
	vm13 =	vgt.f32 v8, $0.0e+00;
	v17 =	vnsel vm0, $0xF149F2CA, v17  }
0x112: {  	vm0 =	vmor vm13, vm12;
	v59 =	vadd.f32 v16, v9;
	v60 =	vadd.f32 v17, v14  }
0x113: {  	vm14 =	vlt.f32 v7, $0.0e+00;
	vm2 =	vgt.f32 v7, $0.0e+00;
	v61 =	vnsel vm0, $0xF149F2CA, v56  }
0x114: {  	vm15 =	vmor vm2, vm14;
	v5 =	vadd.f32 v61, v5;
	v8 =	vadd.f32 v60, v59  }
0x115: {  	v62 =	vnsel vm15, $0xF149F2CA, v58  }
0x116: {  	v63 =	vadd.f32 v62, v57;
	v5 =	vadd.f32 v5, v8;
	_ =	sdelay $0x1  }
0x117: {  	v5 =	vadd.f32 v63, v5;
	_ =	sdelay $0x1  }
0x118: {  	(v2sf) =	vpush v5, $0x0  }
0x119: {  	(v2sf) =	vpush v5, $0x1  }
0x11a: {  	(v2sf) =	vpush v5, $0x2  }
0x11b: {  	(v2sf) =	vpush v5, $0x3  }
0x11c: {  	(v2sf) =	vpush v5, $0x4  }
0x11d: {  	(v2sf) =	vpush v5, $0x5  }
0x11e: {  	(v2sf) =	vpush v5, $0x6  }
0x11f: {  	(v2sf) =	vpush v5, $0x7;
	_ =	sdelay $0x3  }
0x120: {  	(v2sf) =	vpush v5, $0x8;
	_ =	sdelay $0x2  }
0x121: {  	(v2sf) =	vpush v5, $0x9  }
0x122: {  	s0 =	spop (v2sf)  }
0x123: {  	s1 =	spop (v2sf)  }
0x124: {  	v1 =	vmax.f32 v1, v6;
	(v2sf) =	vpush v5, $0xA;
	s0 =	sadd.f32 s1, s0;
	s17 =	spop (v2sf)  }
0x125: {  	v3 =	vmax.f32 v3, v10;
	v4 =	vmax.f32 v4, v13;
	(v2sf) =	vpush v5, $0xB;
	s18 =	spop (v2sf)  }
0x126: {  	v2 =	vmax.f32 v2, v16;
	v1 =	vmax.f32 v1, v17;
	(v2sf) =	vpush v5, $0xC;
	s0 =	sadd.f32 s0, s17;
	s19 =	spop (v2sf)  }
0x127: {  	v3 =	vmax.f32 v3, v61;
	v4 =	vmax.f32 v4, v62;
	(v2sf) =	vpush v5, $0xD;
	s20 =	spop (v2sf)  }
0x128: {  	v1 =	vmax.f32 v2, v1;
	v2 =	vmax.f32 v3, v4;
	s0 =	sadd.f32 s0, s18;
	s21 =	spop (v2sf);
	(v2sf) =	vpush v5, $0xE  }
0x129: {  	v1 =	vmax.f32 v1, v2;
	s22 =	spop (v2sf);
	(v2sf) =	vpush v5, $0xF  }
0x12a: {  	s0 =	sadd.f32 s0, s19;
	(v2sf) =	vpush v1, $0x0  }
0x12b: {  	(v2sf) =	vpush v1, $0x1  }
0x12c: {  	s0 =	sadd.f32 s0, s20  }
0x12d: {  	s23 =	spop (v2sf);
	(v2sf) =	vpush v1, $0x2  }
0x12e: {  	(v2sf) =	vpush v1, $0x3;
	s0 =	sadd.f32 s0, s21;
	_ =	sdelay $0x1  }
0x12f: {  	s24 =	spop (v2sf);
	(v2sf) =	vpush v1, $0x4;
	s0 =	sadd.f32 s0, s22  }
0x130: {  	(v2sf) =	vpush v1, $0x5  }
0x131: {  	s0 =	sadd.f32 s0, s23  }
0x132: {  	s25 =	spop (v2sf);
	(v2sf) =	vpush v1, $0x6  }
0x133: {  	s26 =	spop (v2sf);
	(v2sf) =	vpush v1, $0x7;
	s0 =	sadd.f32 s0, s24  }
0x134: {  	s28 =	spop (v2sf);
	(v2sf) =	vpush v1, $0x8  }
0x135: {  	s29 =	spop (v2sf);
	s0 =	sadd.f32 s0, s25  }
0x136: {  	(v2sf) =	vpush v1, $0x9;
	s30 =	spop (v2sf)  }
0x137: {  	(v2sf) =	vpush v1, $0xA;
	s0 =	sadd.f32 s0, s26;
	s31 =	spop (v2sf)  }
0x138: {  	s2 =	spop (v2sf)  }
0x139: {  	(v2sf) =	vpush v1, $0xB;
	s0 =	sadd.f32 s0, s28;
	s16 =	spop (v2sf)  }
0x13a: {  	(v2sf) =	vpush v1, $0xC;
	s1 =	smax.f32 s2, s16  }
0x13b: {  	(v2sf) =	vpush v1, $0xD;
	s17 =	spop (v2sf);
	s0 =	sadd.f32 s0, s29  }
0x13c: {  	(v2sf) =	vpush v1, $0xE;
	s1 =	smax.f32 s1, s17;
	s18 =	spop (v2sf)  }
0x13d: {  	(v2sf) =	vpush v1, $0xF;
	s1 =	smax.f32 s1, s18  }
0x13e: {  	s19 =	spop (v2sf);
	s0 =	sadd.f32 s0, s30  }
0x13f: {  	s1 =	smax.f32 s1, s19;
	s20 =	spop (v2sf)  }
0x140: {  	s1 =	smax.f32 s1, s20  }
0x141: {  	s21 =	spop (v2sf);
	s0 =	sadd.f32 s0, s31  }
0x142: {  	s1 =	smax.f32 s1, s21;
	s22 =	spop (v2sf)  }
0x143: {  	s1 =	smax.f32 s1, s22;
	s23 =	spop (v2sf)  }
0x144: {  	s1 =	smax.f32 s1, s23  }
0x145: {  	s24 =	spop (v2sf);
	s0 =	sadd.f32 $-1.000000000e+00, s0  }
0x146: {  	s1 =	smax.f32 s1, s24;
	s25 =	spop (v2sf)  }
0x147: {  	s1 =	smax.f32 s1, s25  }
0x148: {  	s26 =	spop (v2sf);
	s0 =	smul.f32 $1.220703130e-04, s0  }
0x149: {  	s1 =	smax.f32 s1, s26;
	s28 =	spop (v2sf)  }
0x14a: {  	s1 =	smax.f32 s1, s28;
	s29 =	spop (v2sf)  }
0x14b: {  	s1 =	smax.f32 s1, s29;
	s30 =	spop (v2sf)  }
0x14c: {  	s1 =	smax.f32 s1, s30;
	s31 =	spop (v2sf)  }
0x14d: {  	[tilespmem:s15+$0x0] =	vst v16;
	v1 =	vmov s0;
	s1 =	smax.f32 s1, s31  }
0x14e: {  	[tilespmem:s15+$0x10] =	vst v17;
	v2 =	vmin.f32 v1, s1  }
0x14f: {  	[tilespmem:s15+$0x20] =	vst v61;
	v2 =	vbroadcast v2, $0x0  }
0x150: {  	[tilespmem:s15+$0x30] =	vst v62;
	s15 =	simm.s32 $0x0;
	v1 =	vmov s1  }
.LBB2_12:
0x151: {  	s0 =	simm.s32 $0x0  }
0x152: {  	v3 =	vld [tilespmem:s0+$0x30]  }
0x153: {  	v4 =	vld [tilespmem:s0+$0x20]  }
0x154: {  	v5 =	vld [tilespmem:s0+$0x0]  }
0x155: {  	v10 =	vld [tilespmem:s0+$0x10];
	_ =	sdelay $0x1  }
0x156: {  	v8 =	vimm.f32 $0.0e+00;
	s31 =	simm.s32 $0x40;
	vm0 =	vge.f32 v3, v2  }
0x157: {  	v13 =	vld [tilespmem:s31+$0x10];
	vm1 =	vge.f32 v4, v2;
	v3 =	vnsel vm0, $0x0, v3;
	v7 =	vsel vm0, $0x3F800000, v0  }
0x158: {  	vm14 =	vge.f32 v5, v2;
	v6 =	vadd.f32 v3, v8;
	v3 =	vadd.f32 v7, v8;
	v7 =	vld [tilespmem:s31+$0x30]  }
0x159: {  	v11 =	vld [tilespmem:s31+$0x20];
	vm15 =	vge.f32 v10, v2;
	v4 =	vnsel vm1, $0x0, v4;
	v5 =	vnsel vm14, $0x0, v5  }
0x15a: {  	v14 =	vsel vm14, $0x3F800000, v0;
	v16 =	vnsel vm15, $0x0, v10;
	v9 =	vadd.f32 v4, v8  }
0x15b: {  	v4 =	vsel vm1, $0x3F800000, v0;
	v12 =	vadd.f32 v5, v8;
	v5 =	vadd.f32 v14, v8;
	v14 =	vld [tilespmem:s31+$0x0]  }
0x15c: {  	s16 =	simm.s32 $0x200;
	v15 =	vsel vm15, $0x3F800000, v0;
	v10 =	vimm.f32 $0.0e+00;
	v4 =	vadd.f32 v4, v8  }
.LBB2_13:
0x15d: {  	s0 =	sshra.s32 s16, $0x2;
	p0 =	sne.s32 s16, $0x7F00;
	s16 =	sadd.s32 $0x100, s16;
	vm0 =	vge.f32 v7, v2;
	v8 =	vadd.f32 v16, v8;
	v10 =	vadd.f32 v15, v10;
	v15 =	vmovc v13  }
0x15e: {  	vm1 =	vge.f32 v11, v2;
	v16 =	vnsel vm0, $0x0, v7;
	v7 =	vld [tilespmem:s0+$0x30];
	v17 =	vsel vm0, $0x3F800000, v0  }
.Ltmp5:
0x15f: {  	v13 =	vld [tilespmem:s0+$0x10];
	v18 =	vnsel vm1, $0x0, v11;
	v6 =	vadd.f32 v16, v6;
	v3 =	vadd.f32 v17, v3;
	(pc) =	sbr.rel @p0 .LBB2_13-.Ltmp5, $4  }
0x160: {  	vm0 =	vge.f32 v14, v2;
	v16 =	vsel vm1, $0x3F800000, v0;
	v11 =	vld [tilespmem:s0+$0x20];
	v9 =	vadd.f32 v18, v9  }
0x161: {  	v17 =	vnsel vm0, $0x0, v14;
	v18 =	vsel vm0, $0x3F800000, v0;
	v4 =	vadd.f32 v16, v4;
	v14 =	vld [tilespmem:s0+$0x0]  }
0x162: {  	vm0 =	vge.f32 v15, v2;
	v12 =	vadd.f32 v17, v12;
	v5 =	vadd.f32 v18, v5  }
0x163: {  	v16 =	vnsel vm0, $0x0, v15;
	v15 =	vsel vm0, $0x3F800000, v0  }
0x164: {  	_ =	sdelay $0x1  }
0x165: {  	v8 =	vadd.f32 v16, v8;
	vm1 =	vge.f32 v13, v2;
	vm0 =	vge.f32 v14, v2  }
0x166: {  	v13 =	vnsel vm1, $0x0, v13;
	v14 =	vnsel vm0, $0x0, v14  }
0x167: {  	vm2 =	vge.f32 v11, v2;
	v8 =	vadd.f32 v13, v8;
	v12 =	vadd.f32 v14, v12  }
0x168: {  	v11 =	vnsel vm2, $0x0, v11  }
0x169: {  	vm3 =	vge.f32 v7, v2;
	v2 =	vadd.f32 v11, v9;
	v8 =	vadd.f32 v8, v12  }
0x16a: {  	v7 =	vnsel vm3, $0x0, v7  }
0x16b: {  	v6 =	vadd.f32 v7, v6;
	v2 =	vadd.f32 v2, v8;
	_ =	sdelay $0x1  }
0x16c: {  	v2 =	vadd.f32 v6, v2;
	_ =	sdelay $0x1  }
0x16d: {  	(v2sf) =	vpush v2, $0x0  }
0x16e: {  	(v2sf) =	vpush v2, $0x1  }
0x16f: {  	(v2sf) =	vpush v2, $0x2  }
0x170: {  	(v2sf) =	vpush v2, $0x3  }
0x171: {  	(v2sf) =	vpush v2, $0x4  }
0x172: {  	v60 =	vadd.f32 v15, v10;
	(v2sf) =	vpush v2, $0x5  }
0x173: {  	v61 =	vsel vm1, $0x3F800000, v0;
	(v2sf) =	vpush v2, $0x6  }
0x174: {  	v7 =	vadd.f32 v61, v60;
	v59 =	vsel vm0, $0x3F800000, v0;
	(v2sf) =	vpush v2, $0x7  }
0x175: {  	v62 =	vsel vm2, $0x3F800000, v0;
	v5 =	vadd.f32 v59, v5;
	(v2sf) =	vpush v2, $0x8  }
0x176: {  	v4 =	vadd.f32 v62, v4;
	(v2sf) =	vpush v2, $0x9  }
0x177: {  	v63 =	vsel vm3, $0x3F800000, v0;
	v5 =	vadd.f32 v7, v5;
	(v2sf) =	vpush v2, $0xA  }
0x178: {  	v3 =	vadd.f32 v63, v3;
	(v2sf) =	vpush v2, $0xB  }
0x179: {  	v4 =	vadd.f32 v4, v5;
	(v2sf) =	vpush v2, $0xC  }
0x17a: {  	(v2sf) =	vpush v2, $0xD  }
0x17b: {  	v3 =	vadd.f32 v3, v4;
	(v2sf) =	vpush v2, $0xE  }
0x17c: {  	s0 =	spop (v2sf);
	(v2sf) =	vpush v2, $0xF  }
0x17d: {  	s1 =	spop (v2sf);
	(v2sf) =	vpush v3, $0x0  }
0x17e: {  	s2 =	spop (v2sf);
	(v2sf) =	vpush v3, $0x1  }
0x17f: {  	s16 =	spop (v2sf)  }
0x180: {  	(v2sf) =	vpush v3, $0x2;
	s17 =	spop (v2sf)  }
0x181: {  	s18 =	spop (v2sf)  }
0x182: {  	(v2sf) =	vpush v3, $0x3;
	s19 =	spop (v2sf)  }
0x183: {  	s20 =	spop (v2sf)  }
0x184: {  	(v2sf) =	vpush v3, $0x4;
	s21 =	spop (v2sf)  }
0x185: {  	s22 =	spop (v2sf)  }
0x186: {  	(v2sf) =	vpush v3, $0x5;
	s23 =	spop (v2sf)  }
0x187: {  	s24 =	spop (v2sf)  }
0x188: {  	(v2sf) =	vpush v3, $0x6;
	s25 =	spop (v2sf)  }
0x189: {  	s26 =	spop (v2sf)  }
0x18a: {  	(v2sf) =	vpush v3, $0x7;
	s28 =	spop (v2sf)  }
0x18b: {  	s29 =	spop (v2sf)  }
0x18c: {  	(v2sf) =	vpush v3, $0x8;
	s30 =	spop (v2sf)  }
0x18d: {  	s31 =	spop (v2sf)  }
0x18e: {  	(v2sf) =	vpush v3, $0x9;
	s30 =	sadd.f32 s31, s30  }
0x18f: {  	s31 =	spop (v2sf)  }
0x190: {  	(v2sf) =	vpush v3, $0xA;
	s30 =	sadd.f32 s30, s31  }
0x191: {  	s31 =	spop (v2sf)  }
0x192: {  	(v2sf) =	vpush v3, $0xB;
	s30 =	sadd.f32 s30, s31  }
0x193: {  	s31 =	spop (v2sf)  }
0x194: {  	(v2sf) =	vpush v3, $0xC;
	s30 =	sadd.f32 s30, s31  }
0x195: {  	s31 =	spop (v2sf)  }
0x196: {  	(v2sf) =	vpush v3, $0xD;
	s30 =	sadd.f32 s30, s31  }
0x197: {  	s0 =	sadd.f32 s1, s0;
	s31 =	spop (v2sf)  }
0x198: {  	(v2sf) =	vpush v3, $0xE;
	s1 =	sadd.f32 s30, s31  }
0x199: {  	s0 =	sadd.f32 s0, s2;
	s31 =	spop (v2sf)  }
0x19a: {  	(v2sf) =	vpush v3, $0xF;
	s1 =	sadd.f32 s1, s31  }
0x19b: {  	s0 =	sadd.f32 s0, s16;
	s16 =	spop (v2sf)  }
0x19c: {  	s1 =	sadd.f32 s1, s16  }
0x19d: {  	s0 =	sadd.f32 s0, s17;
	s17 =	spop (v2sf)  }
0x19e: {  	s1 =	sadd.f32 s1, s17  }
0x19f: {  	s0 =	sadd.f32 s0, s18;
	s18 =	spop (v2sf)  }
0x1a0: {  	s1 =	sadd.f32 s1, s18  }
0x1a1: {  	s0 =	sadd.f32 s0, s19;
	s19 =	spop (v2sf)  }
0x1a2: {  	s1 =	sadd.f32 s1, s19  }
0x1a3: {  	s0 =	sadd.f32 s0, s20;
	s20 =	spop (v2sf)  }
0x1a4: {  	s1 =	sadd.f32 s1, s20  }
0x1a5: {  	s0 =	sadd.f32 s0, s21;
	s21 =	spop (v2sf)  }
0x1a6: {  	s1 =	sadd.f32 s1, s21  }
0x1a7: {  	s0 =	sadd.f32 s0, s22;
	s30 =	spop (v2sf)  }
0x1a8: {  	s1 =	sadd.f32 s1, s30  }
0x1a9: {  	s0 =	sadd.f32 s0, s23;
	s31 =	spop (v2sf)  }
0x1aa: {  	s1 =	sadd.f32 s1, s31;
	_ =	sdelay $0x1  }
0x1ab: {  	s0 =	sadd.f32 s0, s24;
	s1 =	smax.f32 s1, $1.000000000e+00  }
0x1ac: {  	v2 =	vmov s1  }
0x1ad: {  	s0 =	sadd.f32 s0, s25;
	(erf) = vrcp.f32 v2;
	_ =	sdelay $0x1  }
0x1ae: {  	s0 =	sadd.f32 s0, s26;
	_ =	sdelay $0x1  }
0x1af: {  	s0 =	sadd.f32 s0, s28;
	_ =	sdelay $0x1  }
0x1b0: {  	s15 =	sadd.s32 $0x1, s15;
	s0 =	sadd.f32 s0, s29  }
0x1b1: {  	p0 =	sne.s32 s15, $0x10  }
.Ltmp6:
0x1b2: {  	s0 =	sadd.f32 $-1.000000000e+00, s0;
	(pc) =	sbr.rel @p0 .LBB2_12-.Ltmp6, $3  }
0x1b3: {  	v2 =	vpop (erf)  }
0x1b4: {  	v2 =	vmul.f32 s0, v2;
	_ =	sdelay $0x1  }
0x1b5: {  	v2 =	vmin.f32 v2, v1  }
0x1b6: {  	s15 =	simm.s32 $0x0  }
0x1b7: {  	v1 =	vld [tilespmem:s15+$0x0]  }
0x1b8: {  	v3 =	vld [tilespmem:s15+$0x10]  }
0x1b9: {  	s16 =	simm.s32 $0x100;
	v4 =	vld [tilespmem:s15+$0x20]  }
.LBB2_16:
0x1ba: {  	p0 =	sne.s32 s16, $0x7F00;
	v5 =	vld [tilespmem:s15+$0x30];
	_ =	sdelay $0x1  }
0x1bb: {  	v1 =	vsub.f32 v1, v2  }
0x1bc: {  	v3 =	vsub.f32 v3, v2  }
.Ltmp7:
0x1bd: {  	v1 =	vmax.f32 v1, $0.0e+00;
	v4 =	vsub.f32 v4, v2;
	(pc) =	sbr.rel @p0 .LBB2_16-.Ltmp7, $4  }
0x1be: {  	s0 =	sshra.s32 s16, $0x2;
	[tilespmem:s15+$0x0] =	vst v1;
	v3 =	vmax.f32 v3, $0.0e+00;
	v5 =	vsub.f32 v5, v2  }
0x1bf: {  	v1 =	vld [tilespmem:s0+$0x0];
	[tilespmem:s15+$0x10] =	vst v3;
	v4 =	vmax.f32 v4, $0.0e+00  }
0x1c0: {  	v3 =	vld [tilespmem:s0+$0x10];
	[tilespmem:s15+$0x20] =	vst v4;
	v5 =	vmax.f32 v5, $0.0e+00  }
0x1c1: {  	s16 =	sadd.s32 $0x100, s16;
	v4 =	vld [tilespmem:s0+$0x20];
	[tilespmem:s15+$0x30] =	vst v5;
	s15 =	smov.u32 s0  }
0x1c2: {  	v5 =	vld [tilespmem:s15+$0x30];
	_ =	sdelay $0x1  }
0x1c3: {  	v1 =	vsub.f32 v1, v2  }
0x1c4: {  	v3 =	vsub.f32 v3, v2  }
0x1c5: {  	v1 =	vmax.f32 v1, $0.0e+00;
	v4 =	vsub.f32 v4, v2  }
0x1c6: {  	[tilespmem:s15+$0x0] =	vst v1;
	v1 =	vmax.f32 v3, $0.0e+00;
	v2 =	vsub.f32 v5, v2  }
0x1c7: {  	s14 =	sadd.s32 $0x1, s14;
	[tilespmem:s15+$0x10] =	vst v1;
	v1 =	vmax.f32 v4, $0.0e+00  }
0x1c8: {  	p0 =	sne.s32 s14, s9;
	[tilespmem:s15+$0x20] =	vst v1;
	v1 =	vmax.f32 v2, $0.0e+00  }
.Ltmp8:
0x1c9: {  	s1 =	simm.s32 $0x0;
	[tilespmem:s15+$0x30] =	vst v1;
	(pc) =	sbr.rel @p0 .LBB2_1-.Ltmp8, $4  }
0x1ca: {  	[hbm4b:s8+s10] =	stream.strided.scatter [tilespmem:s1], [sflag:$0x1], $0x2000, s11, s10, $0x38;
	[tilespmem:$0x4000] =	vst v63  }
0x1cb: {  	_ =	swait.ge [sflag:s12], $0x2000  }
0x1cc: {  	[sflag:s12] =	ssyncset.done $0x0  }
0x1cd: {  	[sflag:s12] =	ssyncadd.s32 $0xFFFFE000  }
0x1ce: {  	_ =	sfence.sel $0x180000  }
0x1cf: {  	[bflag:$0x0] =	sbarrier.arrive $0xFFFF  }
0x1d0: {  	_ =	strace $0x90000047  }
0x1d1: {  	s0 =	stileid.u32;
	[bflag:$0x2] =	sbarrier.arrive $0xFFFF  }
0x1d2: {  	p0 =	sne.s32 s0, $0x0;
	s0 =	rddreg [dreg:$0x3]  }
0x1d3: {  	s0 =	sadd.s32 @!p0 $0x100000, s0  }
0x1d4: {  	[sflag:s0] =	ssyncadd.tile.s32 @!p0 $0x1;
	_ =	shalt  }
.Lfunc_end2:
_tile_overlayer_lowered:
.L_overlay_start_2:
0x1d5: {  	(tag) =	ssettag $0x2  }
0x1d6: {  	s0 =	rddreg [dreg:$0x0];
	s2 =	stileid.u32  }
0x1d7: {  	s1 =	rddreg [dreg:$0x1];
	p0 =	sne.s32 s2, $0x0  }
0x1d8: {  	s3 =	rddreg [dreg:$0x2];
	[bflag:$0x3] =	sbarrier.arrive $0xFFFF;
	s2 =	simm.s32 @!p0 $0x1C01  }
0x1d9: {  	[timem:s3], [sflag:s2] =	dma.local @!p0 [hbm:s0], s1  }
0x1da: {  	s0 =	simm.s32 @!p0 $0x1  }
0x1db: {  	_ =	swait.ge @!p0 [sflag:s0], s1  }
0x1dc: {  	s1 =	ssub.s32 @!p0 $0x0, s1;
	[sflag:s0] =	ssyncset.done @!p0 $0x0  }
0x1dd: {  	[sflag:s0] =	ssyncadd.s32 @!p0 s1  }
0x1de: {  	[bflag:$0x3] =	sbarrier.arrive $0xFFFF  }
0x1df: {  	_ =	shalt  }

</sc_bundles>
